<compile_context>
chip_gen: v7x
topology: tpu7x:2x2x1
jax: 0.10.2.dev20260603
libtpu: 0.0.44.dev20260713+nightly
codegen_flags: <defaults>
</compile_context>

<pallas_src>
import dataclasses
import functools

import jax
import jax.numpy as jnp
from jax import lax
from jax.experimental import pallas as pl
from jax.experimental.pallas import tpu as pltpu
from jax.experimental.pallas import tpu_sc as plsc

EPS = 1e-5

_SC_CORES = 2
_SC_SUBCORES = 16
_NW = _SC_CORES * _SC_SUBCORES



def _gather_pre(psrc, pdst, src, dst, chunk=80):
    n, d = psrc.shape
    e = src.shape[0]
    per_w = e // _NW
    steps = per_w // chunk
    assert per_w * _NW == e and steps * chunk == per_w and chunk % 8 == 0
    mesh = plsc.VectorSubcoreMesh(core_axis_name="c", subcore_axis_name="s")

    @functools.partial(
        pl.kernel, mesh=mesh,
        out_type=jax.ShapeDtypeStruct((e, d), jnp.float32),
        scratch_types=[
            pltpu.VMEM((chunk,), jnp.int32),
            pltpu.VMEM((chunk,), jnp.int32),
            pltpu.VMEM((chunk, d), jnp.float32),
            pltpu.SemaphoreType.DMA,
        ],
    )
    def k(psrc_hbm, pdst_hbm, src_hbm, dst_hbm, out_hbm, idx_s, idx_d, buf, sem):
        wid = lax.axis_index("s") * _SC_CORES + lax.axis_index("c")
        base = wid * per_w

        @pl.loop(0, steps)
        def _(i):
            off = base + i * chunk
            pltpu.sync_copy(src_hbm.at[pl.ds(off, chunk)], idx_s)
            pltpu.sync_copy(dst_hbm.at[pl.ds(off, chunk)], idx_d)
            pltpu.async_copy(psrc_hbm.at[idx_s], buf, sem).wait()
            pltpu.async_copy(pdst_hbm.at[idx_d], buf, sem, add=True).wait()
            pltpu.sync_copy(buf, out_hbm.at[pl.ds(off, chunk)])

    return k(psrc, pdst, src, dst)


def _fold(p):
    s1 = p['g1'] / jnp.sqrt(p['v1'] + EPS)
    t1 = p['be1'] - p['m1'] * s1
    W1 = p['W1'] * s1[None, :]
    c1 = p['b1'] * s1 + t1
    s2 = p['g2'] / jnp.sqrt(p['v2'] + EPS)
    t2 = p['be2'] - p['m2'] * s2
    W2 = p['W2'] * s2[None, :]
    c2 = p['b2'] * s2 + t2
    return W1, c1, W2, c2


def _silu(x):
    return x * jax.nn.sigmoid(x)



def _tables_body(nf_ref, w1a_ref, w1b_ref, c1_ref, psrc_ref, pdst_ref):
    nf = nf_ref[...]
    psrc_ref[...] = jnp.dot(nf, w1a_ref[...], preferred_element_type=jnp.float32)
    pdst_ref[...] = jnp.dot(nf, w1b_ref[...], preferred_element_type=jnp.float32) + c1_ref[...]


def _node_tables(nf, w1a, w1b, c1, blk):
    n, d = nf.shape
    grid = n // blk
    return pl.pallas_call(
        _tables_body,
        grid=(grid,),
        in_specs=[
            pl.BlockSpec((blk, d), lambda i: (i, 0)),
            pl.BlockSpec((d, d), lambda i: (0, 0)),
            pl.BlockSpec((d, d), lambda i: (0, 0)),
            pl.BlockSpec((1, d), lambda i: (0, 0)),
        ],
        out_specs=[
            pl.BlockSpec((blk, d), lambda i: (i, 0)),
            pl.BlockSpec((blk, d), lambda i: (i, 0)),
        ],
        out_shape=[
            jax.ShapeDtypeStruct((n, d), jnp.float32),
            jax.ShapeDtypeStruct((n, d), jnp.float32),
        ],
    )(nf, w1a, w1b, c1)



def _seg_pad(n, chunk):
    rows_per_sub = -(-n // (chunk * _SC_SUBCORES)) * chunk
    return rows_per_sub, rows_per_sub * _SC_SUBCORES


def _scatter_agg(upd, dst, n, chunk=128):
    e, d = upd.shape
    assert e % chunk == 0 and chunk % 8 == 0
    stage = 64
    rows_per_sub, npad = _seg_pad(n, chunk)
    sub_steps = rows_per_sub // stage
    assert sub_steps * stage == rows_per_sub
    mesh = plsc.VectorSubcoreMesh(core_axis_name="c", subcore_axis_name="s")
    zero_rows = jnp.zeros((stage, d), jnp.float32)
    row_iota = jnp.arange(npad, dtype=jnp.int32)

    @functools.partial(
        pl.kernel, mesh=mesh,
        out_type=jax.ShapeDtypeStruct((_SC_CORES * npad, d), jnp.float32),
        scratch_types=[
            pltpu.VMEM((stage,), jnp.int32),
            pltpu.VMEM((stage, d), jnp.float32),
            pltpu.VMEM_SHARED((npad, d), jnp.float32),
            pltpu.SemaphoreType.DMA,
        ],
    )
    def k(upd_hbm, dst_hbm, zrow_hbm, iota_hbm, agg_hbm,
          idx_r, buf, spmem_agg, sem):
        cid = lax.axis_index("c")
        sid = lax.axis_index("s")
        rbase = sid * rows_per_sub

        pltpu.sync_copy(zrow_hbm, buf)

        @pl.loop(0, sub_steps)
        def _(j):
            r = rbase + j * stage
            pltpu.sync_copy(iota_hbm.at[pl.ds(r, stage)], idx_r)
            pltpu.sync_copy(buf, spmem_agg.at[idx_r])

        plsc.subcore_barrier()

        def acc_body(upd_vmem, i_vmem):
            pltpu.sync_copy(upd_vmem, spmem_agg.at[i_vmem.at[0]], add=True)

        pltpu.emit_pipeline(
            acc_body,
            grid=(e // chunk,),
            in_specs=[
                pl.BlockSpec((chunk, d), lambda i: (i, 0)),
                pl.BlockSpec((1, chunk), lambda i: (0, i)),
            ],
            out_specs=[],
            core_axis_name=("c", "s"),
            dimension_semantics=(pltpu.PARALLEL,),
        )(upd_hbm, dst_hbm)

        plsc.subcore_barrier()

        obase = cid * npad + rbase

        @pl.loop(0, sub_steps)
        def _(j):
            r = rbase + j * stage
            o = obase + j * stage
            pltpu.sync_copy(iota_hbm.at[pl.ds(r, stage)], idx_r)
            pltpu.async_copy(spmem_agg.at[idx_r], buf, sem).wait()
            pltpu.sync_copy(buf, agg_hbm.at[pl.ds(o, stage)])

    agg2 = k(upd, dst.reshape(1, e), zero_rows, row_iota)
    return agg2.reshape(_SC_CORES, npad, d)



def _scatter_cnt(dst, n, chunk=80):
    e = dst.shape[0]
    per_w = e // _NW
    steps = per_w // chunk
    assert per_w * _NW == e and steps * chunk == per_w
    assert chunk % 16 == 0 and chunk % 8 == 0
    _, npad = _seg_pad(n, 128)
    mesh = plsc.VectorSubcoreMesh(core_axis_name="c", subcore_axis_name="s")
    zeros_n = jnp.zeros((npad,), jnp.float32)

    cp = pltpu.CompilerParams()
    if "needs_layout_passes" in pltpu.CompilerParams.__dataclass_fields__:
        cp = dataclasses.replace(cp, needs_layout_passes=False)

    @functools.partial(
        pl.kernel, mesh=mesh,
        out_type=jax.ShapeDtypeStruct((_NW * npad,), jnp.float32),
        scratch_types=[
            pltpu.VMEM((chunk,), jnp.int32),
            pltpu.VMEM((npad,), jnp.float32),
        ],
        compiler_params=cp,
    )
    def k(dst_hbm, zeros_hbm, cnt_hbm, idx_v, cnt_local):
        cid = lax.axis_index("c")
        sid = lax.axis_index("s")
        wid = sid * _SC_CORES + cid
        base = wid * per_w
        ones16 = jnp.ones((16,), jnp.float32)

        pltpu.sync_copy(zeros_hbm, cnt_local)

        @pl.loop(0, steps)
        def _(i):
            pltpu.sync_copy(dst_hbm.at[pl.ds(base + i * chunk, chunk)], idx_v)

            @pl.loop(0, chunk // 16)
            def _(j):
                iv = idx_v[pl.ds(j * 16, 16)]
                plsc.addupdate_scatter(cnt_local, [iv], ones16)

        pltpu.sync_copy(cnt_local, cnt_hbm.at[pl.ds(wid * npad, npad)])

    cnt2 = k(dst, zeros_n)
    return cnt2.reshape(_NW, npad).T



def _edge_body(pre_ref, ef_ref, w1c_ref, w2_ref, c2_ref, out_ref):
    ef = ef_ref[...]
    h = pre_ref[...] + jnp.dot(ef, w1c_ref[...], preferred_element_type=jnp.float32)
    h = _silu(h)
    u = jnp.dot(h, w2_ref[...], preferred_element_type=jnp.float32) + c2_ref[...]
    out_ref[...] = _silu(u + ef)


def _edge_mlp(pre, ef, w1c, w2, c2, blk):
    e, d = ef.shape
    grid = e // blk
    return pl.pallas_call(
        _edge_body,
        grid=(grid,),
        in_specs=[
            pl.BlockSpec((blk, d), lambda i: (i, 0)),
            pl.BlockSpec((blk, d), lambda i: (i, 0)),
            pl.BlockSpec((d, d), lambda i: (0, 0)),
            pl.BlockSpec((d, d), lambda i: (0, 0)),
            pl.BlockSpec((1, d), lambda i: (0, 0)),
        ],
        out_specs=pl.BlockSpec((blk, d), lambda i: (i, 0)),
        out_shape=jax.ShapeDtypeStruct((e, d), jnp.float32),
    )(pre, ef, w1c, w2, c2)



def _node_body(nf_ref, agg_ref, cnt_ref, v1a_ref, v1b_ref, c1_ref, v2_ref,
               c2_ref, out_ref):
    nf = nf_ref[...]
    agg = agg_ref[0] + agg_ref[1]
    cnt = jnp.maximum(jnp.sum(cnt_ref[...], axis=1), 1.0)
    h_agg = agg / cnt[:, None]
    h = (jnp.dot(nf, v1a_ref[...], preferred_element_type=jnp.float32)
         + jnp.dot(h_agg, v1b_ref[...], preferred_element_type=jnp.float32)
         + c1_ref[...])
    h = _silu(h)
    u = jnp.dot(h, v2_ref[...], preferred_element_type=jnp.float32) + c2_ref[...]
    out_ref[...] = _silu(u + nf)


def _node_mlp(nf, agg, cnt, v1a, v1b, c1, v2, c2, blk):
    n, d = nf.shape
    grid = n // blk
    return pl.pallas_call(
        _node_body,
        grid=(grid,),
        in_specs=[
            pl.BlockSpec((blk, d), lambda i: (i, 0)),
            pl.BlockSpec((2, blk, d), lambda i: (0, i, 0)),
            pl.BlockSpec((blk, _NW), lambda i: (i, 0)),
            pl.BlockSpec((d, d), lambda i: (0, 0)),
            pl.BlockSpec((d, d), lambda i: (0, 0)),
            pl.BlockSpec((1, d), lambda i: (0, 0)),
            pl.BlockSpec((d, d), lambda i: (0, 0)),
            pl.BlockSpec((1, d), lambda i: (0, 0)),
        ],
        out_specs=pl.BlockSpec((blk, d), lambda i: (i, 0)),
        out_shape=jax.ShapeDtypeStruct((n, d), jnp.float32),
    )(nf, agg, cnt, v1a, v1b, c1, v2, c2)


def kernel(node_feats, edge_feats, params, edge_index):
    n, d = node_feats.shape
    e = edge_feats.shape[0]
    src = edge_index[0]
    dst = edge_index[1]

    ew1, ec1, ew2, ec2 = _fold(params['edge'])
    nw1, nc1, nw2, nc2 = _fold(params['node'])
    w1a, w1b, w1c = ew1[:d], ew1[d:2 * d], ew1[2 * d:]
    v1a, v1b = nw1[:d], nw1[d:2 * d]

    psrc, pdst = _node_tables(node_feats, w1a, w1b, ec1.reshape(1, d), blk=2000)

    pre = _gather_pre(psrc, pdst, src, dst)

    updated_edges = _edge_mlp(pre, edge_feats, w1c, ew2, ec2.reshape(1, d), blk=4000)

    cnt_part = _scatter_cnt(dst, n)
    agg_part = _scatter_agg(updated_edges, dst, n)

    updated_nodes = _node_mlp(node_feats, agg_part, cnt_part, v1a, v1b,
                              nc1.reshape(1, d), nw2, nc2.reshape(1, d), blk=2000)
    return (updated_nodes, updated_edges)

# --- scband reference (transcript-rebuilt; emitter-appended) ---
"""Pipeline reference for scband-dense-gnn-8014408974713 (READ-ONLY COPY).

The authoritative reference and input builder live on the scoring server;
editing this copy changes nothing except your own understanding.
"""

import jax, jax.numpy as jnp
import numpy as np

N = 10000
E = 320000
D = 128
EPS = 1e-5

def _init_mlp(key, in_dim, out_dim):
    k1, k2 = jax.random.split(key)
    s1 = 1.0 / np.sqrt(in_dim)
    s2 = 1.0 / np.sqrt(out_dim)
    return {
        'W1': jax.random.uniform(k1, (in_dim, out_dim), jnp.float32, -s1, s1),
        'b1': jnp.zeros((out_dim,), jnp.float32),
        'g1': jnp.ones((out_dim,), jnp.float32),
        'be1': jnp.zeros((out_dim,), jnp.float32),
        'm1': jnp.zeros((out_dim,), jnp.float32),
        'v1': jnp.ones((out_dim,), jnp.float32),
        'W2': jax.random.uniform(k2, (out_dim, out_dim), jnp.float32, -s2, s2),
        'b2': jnp.zeros((out_dim,), jnp.float32),
        'g2': jnp.ones((out_dim,), jnp.float32),
        'be2': jnp.zeros((out_dim,), jnp.float32),
        'm2': jnp.zeros((out_dim,), jnp.float32),
        'v2': jnp.ones((out_dim,), jnp.float32),
    }

def _bn(x, g, b, m, v):
    return (x - m) / jnp.sqrt(v + EPS) * g + b

def _mlp(x, p):
    h = x @ p['W1'] + p['b1']
    h = _bn(h, p['g1'], p['be1'], p['m1'], p['v1'])
    h = jax.nn.silu(h)
    h = h @ p['W2'] + p['b2']
    h = _bn(h, p['g2'], p['be2'], p['m2'], p['v2'])
    return h

def setup_inputs(seed: int = 0):
    key = jax.random.key(seed)
    k0, k1, k2, k3, k4 = jax.random.split(key, 5)
    node_feats = jax.random.normal(k0, (N, D), dtype=jnp.float32)
    edge_feats = jax.random.normal(k1, (E, D), dtype=jnp.float32)
    edge_index = jax.random.randint(k2, (2, E), 0, N, dtype=jnp.int32)
    params = {'edge': _init_mlp(k3, 3 * D, D), 'node': _init_mlp(k4, 3 * D, D)}
    return {'node_feats': node_feats, 'edge_feats': edge_feats, 'params': params, 'edge_index': edge_index}

def reference(node_feats, edge_feats, params, edge_index):
    n = node_feats.shape[0]
    src = edge_index[0]
    dst = edge_index[1]
    h_src = jnp.take(node_feats, src, axis=0)
    h_dst = jnp.take(node_feats, dst, axis=0)
    edge_input = jnp.concatenate([h_src, h_dst, edge_feats], axis=-1)
    updated_edges = jax.nn.silu(_mlp(edge_input, params['edge']) + edge_feats)
    agg = jax.ops.segment_sum(updated_edges, dst, num_segments=n)
    cnt = jax.ops.segment_sum(jnp.ones((dst.shape[0], 1), jnp.float32), dst, num_segments=n)
    h_agg = agg / jnp.maximum(cnt, 1.0)
    node_input = jnp.concatenate([node_feats, h_agg, jnp.zeros((n, edge_feats.shape[1]), jnp.float32)], axis=-1)
    updated_nodes = jax.nn.silu(_mlp(node_input, params['node']) + node_feats)
    return (updated_nodes, updated_edges)

if __name__ == "__main__":
    import jax
    _d = setup_inputs()
    print(jax.jit(kernel)(*tuple(_d.values())))

</pallas_src>

<mosaic_0001>
#map = affine_map<(d0, d1) -> (0, 0)>
#map1 = affine_map<(d0, d1) -> (0)>
module attributes {stable_mosaic.version = 14 : i64} {
  func.func @k(%arg0: i32, %arg1: i32, %arg2: memref<10000x128xf32, #tpu.memory_space<hbm>>, %arg3: memref<10000x128xf32, #tpu.memory_space<hbm>>, %arg4: memref<320000xi32, #tpu.memory_space<hbm>>, %arg5: memref<320000xi32, #tpu.memory_space<hbm>>, %arg6: memref<320000x128xf32, #tpu.memory_space<hbm>>, %arg7: memref<80xi32, #tpu.memory_space<vmem>>, %arg8: memref<80xi32, #tpu.memory_space<vmem>>, %arg9: memref<80x128xf32, #tpu.memory_space<vmem>>, %arg10: memref<!tpu.dma_semaphore, #tpu.memory_space<semaphore_mem>>) attributes {dimension_semantics = [#tpu.dimension_semantics<core_parallel>, #tpu.dimension_semantics<subcore_parallel>], iteration_bounds = array<i64: 2, 16>, scalar_prefetch = 0 : i64, scratch_operands = 4 : i64, tpu.core_type = #tpu.core_type<sc_vector_subcore>, window_params = [{transform_indices = #map}, {transform_indices = #map}, {transform_indices = #map1}, {transform_indices = #map1}, {transform_indices = #map}]} {
    %mul3A = arith.constant 2 : i32
    %mul3A_0 = arith.muli %arg1, %mul3A : i32
    %add3A = arith.addi %mul3A_0, %arg0 : i32
    %mul3A_1 = arith.constant 10000 : i32
    %mul3A_2 = arith.muli %add3A, %mul3A_1 : i32
    %scan3A = arith.constant 0 : i32
    %scan3A_3 = arith.constant 125 : i32
    %scan3A_4 = arith.addi %scan3A, %scan3A_3 : i32
    %scan3A_5 = arith.constant 1 : i32
    scf.for %scan3A_7 = %scan3A to %scan3A_4 step %scan3A_5  : i32 {
      %mul3A_8 = arith.constant 1 : i32
      %mul3A_9 = arith.muli %scan3A_7, %mul3A_8 : i32
      %add3A_10 = arith.constant 0 : i32
      %add3A_11 = arith.addi %add3A_10, %mul3A_9 : i32
      %mul3A_12 = arith.constant 80 : i32
      %mul3A_13 = arith.muli %add3A_11, %mul3A_12 : i32
      %add3A_14 = arith.addi %mul3A_2, %mul3A_13 : i32
      "tpu.region"() ({
        %run_scoped3A = tpu.sem_alloc : memref<!tpu.dma_semaphore, #tpu.memory_space<semaphore_mem>>
        %dma_start3A_25 = tpu.memref_slice %arg4[%add3A_14] : memref<320000xi32, #tpu.memory_space<hbm>> -> memref<80xi32, #tpu.memory_space<hbm>>
        %dma_start3A_26 = tpu.memref_slice %arg4[%add3A_14] : memref<320000xi32, #tpu.memory_space<hbm>> -> memref<80xi32, #tpu.memory_space<hbm>>
        tpu.enqueue_dma source(%dma_start3A_26 : memref<80xi32, #tpu.memory_space<hbm>>) target(%arg7 : memref<80xi32, #tpu.memory_space<vmem>>) target_semaphore(%run_scoped3A : memref<!tpu.dma_semaphore, #tpu.memory_space<semaphore_mem>>)
        %dma_wait3A_27 = tpu.memref_slice %arg4[%add3A_14] : memref<320000xi32, #tpu.memory_space<hbm>> -> memref<80xi32, #tpu.memory_space<hbm>>
        %dma_wait3A_28 = tpu.memref_slice %arg4[%add3A_14] : memref<320000xi32, #tpu.memory_space<hbm>> -> memref<80xi32, #tpu.memory_space<hbm>>
        tpu.wait_dma2 semaphore(%run_scoped3A : memref<!tpu.dma_semaphore, #tpu.memory_space<semaphore_mem>>) src(%dma_wait3A_28 : memref<80xi32, #tpu.memory_space<hbm>>) dst(%arg7 : memref<80xi32, #tpu.memory_space<vmem>>)
        tpu.yield
      }) : () -> ()
      "tpu.region"() ({
        %run_scoped3A = tpu.sem_alloc : memref<!tpu.dma_semaphore, #tpu.memory_space<semaphore_mem>>
        %dma_start3A_25 = tpu.memref_slice %arg5[%add3A_14] : memref<320000xi32, #tpu.memory_space<hbm>> -> memref<80xi32, #tpu.memory_space<hbm>>
        %dma_start3A_26 = tpu.memref_slice %arg5[%add3A_14] : memref<320000xi32, #tpu.memory_space<hbm>> -> memref<80xi32, #tpu.memory_space<hbm>>
        tpu.enqueue_dma source(%dma_start3A_26 : memref<80xi32, #tpu.memory_space<hbm>>) target(%arg8 : memref<80xi32, #tpu.memory_space<vmem>>) target_semaphore(%run_scoped3A : memref<!tpu.dma_semaphore, #tpu.memory_space<semaphore_mem>>)
        %dma_wait3A_27 = tpu.memref_slice %arg5[%add3A_14] : memref<320000xi32, #tpu.memory_space<hbm>> -> memref<80xi32, #tpu.memory_space<hbm>>
        %dma_wait3A_28 = tpu.memref_slice %arg5[%add3A_14] : memref<320000xi32, #tpu.memory_space<hbm>> -> memref<80xi32, #tpu.memory_space<hbm>>
        tpu.wait_dma2 semaphore(%run_scoped3A : memref<!tpu.dma_semaphore, #tpu.memory_space<semaphore_mem>>) src(%dma_wait3A_28 : memref<80xi32, #tpu.memory_space<hbm>>) dst(%arg8 : memref<80xi32, #tpu.memory_space<vmem>>)
        tpu.yield
      }) : () -> ()
      %dma_start3A = arith.constant 0 : i32
      %dma_start3A_15 = arith.constant 0 : i32
      %dma_start3A_16 = tpu.memref_slice %arg2[%dma_start3A, %dma_start3A_15] : memref<10000x128xf32, #tpu.memory_space<hbm>> -> memref<10000x128xf32, #tpu.memory_space<hbm>>
      tpu.enqueue_indirect_dma source(%dma_start3A_16 : memref<10000x128xf32, #tpu.memory_space<hbm>>) target(%arg9 : memref<80x128xf32, #tpu.memory_space<vmem>>) offsets(%arg7 : memref<80xi32, #tpu.memory_space<vmem>>) semaphore(%arg10 : memref<!tpu.dma_semaphore, #tpu.memory_space<semaphore_mem>>)
      %dma_wait3A = arith.constant 0 : i32
      %dma_wait3A_17 = arith.constant 0 : i32
      %dma_wait3A_18 = tpu.memref_slice %arg2[%dma_wait3A, %dma_wait3A_17] : memref<10000x128xf32, #tpu.memory_space<hbm>> -> memref<10000x128xf32, #tpu.memory_space<hbm>>
      tpu.wait_indirect_dma semaphore(%arg10 : memref<!tpu.dma_semaphore, #tpu.memory_space<semaphore_mem>>) src(%dma_wait3A_18 : memref<10000x128xf32, #tpu.memory_space<hbm>>) dst(%arg9 : memref<80x128xf32, #tpu.memory_space<vmem>>)
      %dma_start3A_19 = arith.constant 0 : i32
      %dma_start3A_20 = arith.constant 0 : i32
      %dma_start3A_21 = tpu.memref_slice %arg3[%dma_start3A_19, %dma_start3A_20] : memref<10000x128xf32, #tpu.memory_space<hbm>> -> memref<10000x128xf32, #tpu.memory_space<hbm>>
      tpu.enqueue_indirect_dma source(%dma_start3A_21 : memref<10000x128xf32, #tpu.memory_space<hbm>>) target(%arg9 : memref<80x128xf32, #tpu.memory_space<vmem>>) offsets(%arg8 : memref<80xi32, #tpu.memory_space<vmem>>) semaphore(%arg10 : memref<!tpu.dma_semaphore, #tpu.memory_space<semaphore_mem>>) {add = true}
      %dma_wait3A_22 = arith.constant 0 : i32
      %dma_wait3A_23 = arith.constant 0 : i32
      %dma_wait3A_24 = tpu.memref_slice %arg3[%dma_wait3A_22, %dma_wait3A_23] : memref<10000x128xf32, #tpu.memory_space<hbm>> -> memref<10000x128xf32, #tpu.memory_space<hbm>>
      tpu.wait_indirect_dma semaphore(%arg10 : memref<!tpu.dma_semaphore, #tpu.memory_space<semaphore_mem>>) src(%dma_wait3A_24 : memref<10000x128xf32, #tpu.memory_space<hbm>>) dst(%arg9 : memref<80x128xf32, #tpu.memory_space<vmem>>)
      "tpu.region"() ({
        %run_scoped3A = tpu.sem_alloc : memref<!tpu.dma_semaphore, #tpu.memory_space<semaphore_mem>>
        %dma_start3A_25 = arith.constant 0 : i32
        %dma_start3A_26 = tpu.memref_slice %arg6[%add3A_14, %dma_start3A_25] : memref<320000x128xf32, #tpu.memory_space<hbm>> -> memref<80x128xf32, #tpu.memory_space<hbm>>
        %dma_start3A_27 = arith.constant 0 : i32
        %dma_start3A_28 = tpu.memref_slice %arg6[%add3A_14, %dma_start3A_27] : memref<320000x128xf32, #tpu.memory_space<hbm>> -> memref<80x128xf32, #tpu.memory_space<hbm>>
        tpu.enqueue_dma source(%arg9 : memref<80x128xf32, #tpu.memory_space<vmem>>) target(%dma_start3A_28 : memref<80x128xf32, #tpu.memory_space<hbm>>) target_semaphore(%run_scoped3A : memref<!tpu.dma_semaphore, #tpu.memory_space<semaphore_mem>>)
        %dma_wait3A_29 = arith.constant 0 : i32
        %dma_wait3A_30 = tpu.memref_slice %arg6[%add3A_14, %dma_wait3A_29] : memref<320000x128xf32, #tpu.memory_space<hbm>> -> memref<80x128xf32, #tpu.memory_space<hbm>>
        %dma_wait3A_31 = arith.constant 0 : i32
        %dma_wait3A_32 = tpu.memref_slice %arg6[%add3A_14, %dma_wait3A_31] : memref<320000x128xf32, #tpu.memory_space<hbm>> -> memref<80x128xf32, #tpu.memory_space<hbm>>
        tpu.wait_dma2 semaphore(%run_scoped3A : memref<!tpu.dma_semaphore, #tpu.memory_space<semaphore_mem>>) src(%arg9 : memref<80x128xf32, #tpu.memory_space<vmem>>) dst(%dma_wait3A_32 : memref<80x128xf32, #tpu.memory_space<hbm>>)
        tpu.yield
      }) : () -> ()
    }
    %scan3A_6 = arith.constant 125 : i32
    return
  }
}

#map = affine_map<(d0, d1) -> (0, 0)>
#map1 = affine_map<(d0, d1) -> (0)>
module attributes {stable_mosaic.version = 14 : i64} {
  func.func @k(%arg0: i32, %arg1: i32, %arg2: memref<320000x128xf32, #tpu.memory_space<hbm>>, %arg3: memref<1x320000xi32, #tpu.memory_space<hbm>>, %arg4: memref<64x128xf32, #tpu.memory_space<hbm>>, %arg5: memref<10240xi32, #tpu.memory_space<hbm>>, %arg6: memref<20480x128xf32, #tpu.memory_space<hbm>>, %arg7: memref<64xi32, #tpu.memory_space<vmem>>, %arg8: memref<64x128xf32, #tpu.memory_space<vmem>>, %arg9: memref<10240x128xf32, #tpu.memory_space<vmem_shared>>, %arg10: memref<!tpu.dma_semaphore, #tpu.memory_space<semaphore_mem>>) attributes {dimension_semantics = [#tpu.dimension_semantics<core_parallel>, #tpu.dimension_semantics<subcore_parallel>], iteration_bounds = array<i64: 2, 16>, scalar_prefetch = 0 : i64, scratch_operands = 4 : i64, tpu.core_type = #tpu.core_type<sc_vector_subcore>, window_params = [{transform_indices = #map}, {transform_indices = #map}, {transform_indices = #map}, {transform_indices = #map1}, {transform_indices = #map}]} {
    %mul3A = arith.constant 640 : i32
    %mul3A_0 = arith.muli %arg1, %mul3A : i32
    "tpu.region"() ({
      %run_scoped3A = tpu.sem_alloc : memref<!tpu.dma_semaphore, #tpu.memory_space<semaphore_mem>>
      tpu.enqueue_dma source(%arg4 : memref<64x128xf32, #tpu.memory_space<hbm>>) target(%arg8 : memref<64x128xf32, #tpu.memory_space<vmem>>) target_semaphore(%run_scoped3A : memref<!tpu.dma_semaphore, #tpu.memory_space<semaphore_mem>>)
      tpu.wait_dma2 semaphore(%run_scoped3A : memref<!tpu.dma_semaphore, #tpu.memory_space<semaphore_mem>>) src(%arg4 : memref<64x128xf32, #tpu.memory_space<hbm>>) dst(%arg8 : memref<64x128xf32, #tpu.memory_space<vmem>>)
      tpu.yield
    }) : () -> ()
    %scan3A = arith.constant 0 : i32
    %scan3A_1 = arith.constant 10 : i32
    %scan3A_2 = arith.addi %scan3A, %scan3A_1 : i32
    %scan3A_3 = arith.constant 1 : i32
    scf.for %scan3A_32 = %scan3A to %scan3A_2 step %scan3A_3  : i32 {
      %mul3A_33 = arith.constant 1 : i32
      %mul3A_34 = arith.muli %scan3A_32, %mul3A_33 : i32
      %add3A_35 = arith.constant 0 : i32
      %add3A_36 = arith.addi %add3A_35, %mul3A_34 : i32
      %mul3A_37 = arith.constant 64 : i32
      %mul3A_38 = arith.muli %add3A_36, %mul3A_37 : i32
      %add3A_39 = arith.addi %mul3A_0, %mul3A_38 : i32
      "tpu.region"() ({
        %run_scoped3A = tpu.sem_alloc : memref<!tpu.dma_semaphore, #tpu.memory_space<semaphore_mem>>
        %dma_start3A = tpu.memref_slice %arg5[%add3A_39] : memref<10240xi32, #tpu.memory_space<hbm>> -> memref<64xi32, #tpu.memory_space<hbm>>
        %dma_start3A_40 = tpu.memref_slice %arg5[%add3A_39] : memref<10240xi32, #tpu.memory_space<hbm>> -> memref<64xi32, #tpu.memory_space<hbm>>
        tpu.enqueue_dma source(%dma_start3A_40 : memref<64xi32, #tpu.memory_space<hbm>>) target(%arg7 : memref<64xi32, #tpu.memory_space<vmem>>) target_semaphore(%run_scoped3A : memref<!tpu.dma_semaphore, #tpu.memory_space<semaphore_mem>>)
        %dma_wait3A = tpu.memref_slice %arg5[%add3A_39] : memref<10240xi32, #tpu.memory_space<hbm>> -> memref<64xi32, #tpu.memory_space<hbm>>
        %dma_wait3A_41 = tpu.memref_slice %arg5[%add3A_39] : memref<10240xi32, #tpu.memory_space<hbm>> -> memref<64xi32, #tpu.memory_space<hbm>>
        tpu.wait_dma2 semaphore(%run_scoped3A : memref<!tpu.dma_semaphore, #tpu.memory_space<semaphore_mem>>) src(%dma_wait3A_41 : memref<64xi32, #tpu.memory_space<hbm>>) dst(%arg7 : memref<64xi32, #tpu.memory_space<vmem>>)
        tpu.yield
      }) : () -> ()
      "tpu.region"() ({
        %run_scoped3A = tpu.sem_alloc : memref<!tpu.dma_semaphore, #tpu.memory_space<semaphore_mem>>
        %dma_start3A = arith.constant 0 : i32
        %dma_start3A_40 = arith.constant 0 : i32
        %dma_start3A_41 = tpu.memref_slice %arg9[%dma_start3A, %dma_start3A_40] : memref<10240x128xf32, #tpu.memory_space<vmem_shared>> -> memref<10240x128xf32, #tpu.memory_space<vmem_shared>>
        tpu.enqueue_indirect_dma source(%arg8 : memref<64x128xf32, #tpu.memory_space<vmem>>) target(%dma_start3A_41 : memref<10240x128xf32, #tpu.memory_space<vmem_shared>>) offsets(%arg7 : memref<64xi32, #tpu.memory_space<vmem>>) semaphore(%run_scoped3A : memref<!tpu.dma_semaphore, #tpu.memory_space<semaphore_mem>>)
        %dma_wait3A = arith.constant 0 : i32
        %dma_wait3A_42 = arith.constant 0 : i32
        %dma_wait3A_43 = tpu.memref_slice %arg9[%dma_wait3A, %dma_wait3A_42] : memref<10240x128xf32, #tpu.memory_space<vmem_shared>> -> memref<10240x128xf32, #tpu.memory_space<vmem_shared>>
        tpu.wait_indirect_dma semaphore(%run_scoped3A : memref<!tpu.dma_semaphore, #tpu.memory_space<semaphore_mem>>) src(%arg8 : memref<64x128xf32, #tpu.memory_space<vmem>>) dst(%dma_wait3A_43 : memref<10240x128xf32, #tpu.memory_space<vmem_shared>>)
        tpu.yield
      }) : () -> ()
    }
    %scan3A_4 = arith.constant 10 : i32
    %barrier3A = arith.constant 0 : index
    tpu.barrier barrier_id(%barrier3A)
    %mul3A_5 = arith.constant 1 : i32
    %mul3A_6 = arith.muli %arg1, %mul3A_5 : i32
    %add3A = arith.constant 0 : i32
    %add3A_7 = arith.addi %add3A, %mul3A_6 : i32
    %mul3A_8 = arith.constant 16 : i32
    %mul3A_9 = arith.muli %arg0, %mul3A_8 : i32
    %add3A_10 = arith.addi %add3A_7, %mul3A_9 : i32
    %lt3A = arith.constant 4 : i32
    %lt3A_11 = arith.cmpi slt, %add3A_10, %lt3A : i32
    %jit3A = arith.constant 79 : i32
    %jit3A_12 = arith.constant 78 : i32
    %select_n3A = arith.select %lt3A_11, %jit3A, %jit3A_12 : i32
    %lt3A_13 = arith.constant 4 : i32
    %lt3A_14 = arith.cmpi slt, %add3A_10, %lt3A_13 : i32
    %mul3A_15 = arith.muli %add3A_10, %select_n3A : i32
    %mul3A_16 = arith.constant 78 : i32
    %mul3A_17 = arith.muli %add3A_10, %mul3A_16 : i32
    %add3A_18 = arith.constant 4 : i32
    %add3A_19 = arith.addi %mul3A_17, %add3A_18 : i32
    %select_n3A_20 = arith.select %lt3A_14, %mul3A_15, %add3A_19 : i32
    %mul3A_21 = arith.constant 1 : i32
    %mul3A_22 = arith.muli %mul3A_21, %select_n3A : i32
    "tpu.region"() ({
      %run_scoped3A = memref.alloca() : memref<2x128x128xf32, #tpu.memory_space<vmem>>
      %run_scoped3A_32 = tpu.sem_alloc : memref<2x!tpu.dma_semaphore, #tpu.memory_space<semaphore_mem>>
      %run_scoped3A_33 = memref.alloca() : memref<2x1x128xi32, #tpu.memory_space<vmem>>
      %run_scoped3A_34 = tpu.sem_alloc : memref<2x!tpu.dma_semaphore, #tpu.memory_space<semaphore_mem>>
      %gt3A = arith.constant 0 : i32
      %gt3A_35 = arith.cmpi sgt, %mul3A_22, %gt3A : i32
      %convert_element_type3A = arith.extui %gt3A_35 : i1 to i32
      %cond3A = arith.constant 0 : i32
      %cond3A_36 = arith.cmpi ne, %convert_element_type3A, %cond3A : i32
      scf.if %cond3A_36 {
        %mul3A_37 = arith.constant 1 : i32
        %mul3A_38 = arith.muli %mul3A_37, %select_n3A : i32
        %sub3A = arith.constant 1 : i32
        %sub3A_39 = arith.subi %mul3A_38, %sub3A : i32
        %eq3A = arith.constant 0 : i32
        %eq3A_40 = arith.cmpi eq, %sub3A_39, %eq3A : i32
        %add3A_41 = arith.constant 0 : i32
        %add3A_42 = arith.addi %add3A_41, %select_n3A_20 : i32
        %select_n3A_43 = arith.constant true
        %select_n3A_44 = arith.constant 0 : i32
        %select_n3A_45 = arith.constant -1 : i32
        %select_n3A_46 = arith.select %select_n3A_43, %select_n3A_45, %select_n3A_44 : i32
        %eq3A_47 = arith.constant -1 : i32
        %eq3A_48 = arith.cmpi eq, %select_n3A_46, %eq3A_47 : i32
        %sub3A_49 = arith.constant 1 : i32
        %sub3A_50 = arith.subi %select_n3A, %sub3A_49 : i32
        %select_n3A_51 = arith.select %eq3A_48, %sub3A_50, %select_n3A_46 : i32
        %add3A_52 = arith.addi %select_n3A_51, %select_n3A_20 : i32
        %select_n3A_53 = arith.constant true
        %select_n3A_54 = arith.constant 0 : i32
        %select_n3A_55 = arith.constant 1 : i32
        %select_n3A_56 = arith.select %select_n3A_53, %select_n3A_55, %select_n3A_54 : i32
        %eq3A_57 = arith.cmpi eq, %select_n3A_56, %select_n3A : i32
        %select_n3A_58 = arith.constant 0 : i32
        %select_n3A_59 = arith.select %eq3A_57, %select_n3A_58, %select_n3A_56 : i32
        %add3A_60 = arith.addi %select_n3A_59, %select_n3A_20 : i32
        %add3A_61 = arith.constant 1 : i32
        %add3A_62 = arith.addi %select_n3A_59, %add3A_61 : i32
        %select_n3A_63 = arith.constant true
        %select_n3A_64 = arith.select %select_n3A_63, %add3A_62, %select_n3A_59 : i32
        %eq3A_65 = arith.cmpi eq, %select_n3A_64, %select_n3A : i32
        %select_n3A_66 = arith.constant 0 : i32
        %select_n3A_67 = arith.select %eq3A_65, %select_n3A_66, %select_n3A_64 : i32
        %add3A_68 = arith.addi %select_n3A_67, %select_n3A_20 : i32
        "tpu.trace_start"() <{level = 10 : i32, message = "ep_initialize_0"}> : () -> ()
        %rem3A = arith.constant 0 : i32
        %rem3A_69 = arith.constant 2 : i32
        %rem3A_70 = arith.remui %rem3A, %rem3A_69 : i32
        %mul3A_71 = arith.constant 128 : i32
        %mul3A_72 = arith.muli %mul3A_71, %add3A_42 : i32
        %dma_start3A = arith.constant 0 : i32
        %dma_start3A_73 = arith.constant 0 : i32
        %dma_start3A_74 = tpu.memref_slice %run_scoped3A[%rem3A_70, %dma_start3A, %dma_start3A_73] : memref<2x128x128xf32, #tpu.memory_space<vmem>> -> memref<1x128x128xf32, #tpu.memory_space<vmem>>
        %dma_start3A_75 = tpu.memref_squeeze %dma_start3A_74 : memref<1x128x128xf32, #tpu.memory_space<vmem>> -> memref<128x128xf32, #tpu.memory_space<vmem>>
        %dma_start3A_76 = arith.constant 0 : i32
        %dma_start3A_77 = tpu.memref_slice %arg2[%mul3A_72, %dma_start3A_76] : memref<320000x128xf32, #tpu.memory_space<hbm>> -> memref<128x128xf32, #tpu.memory_space<hbm>>
        %dma_start3A_78 = tpu.memref_slice %run_scoped3A_32[%rem3A_70] : memref<2x!tpu.dma_semaphore, #tpu.memory_space<semaphore_mem>> -> memref<1x!tpu.dma_semaphore, #tpu.memory_space<semaphore_mem>>
        %dma_start3A_79 = tpu.memref_squeeze %dma_start3A_78 : memref<1x!tpu.dma_semaphore, #tpu.memory_space<semaphore_mem>> -> memref<!tpu.dma_semaphore, #tpu.memory_space<semaphore_mem>>
        %dma_start3A_80 = arith.constant 0 : i32
        %dma_start3A_81 = arith.constant 0 : i32
        %dma_start3A_82 = tpu.memref_slice %run_scoped3A[%rem3A_70, %dma_start3A_80, %dma_start3A_81] : memref<2x128x128xf32, #tpu.memory_space<vmem>> -> memref<1x128x128xf32, #tpu.memory_space<vmem>>
        %dma_start3A_83 = tpu.memref_squeeze %dma_start3A_82 : memref<1x128x128xf32, #tpu.memory_space<vmem>> -> memref<128x128xf32, #tpu.memory_space<vmem>>
        %dma_start3A_84 = arith.constant 0 : i32
        %dma_start3A_85 = tpu.memref_slice %arg2[%mul3A_72, %dma_start3A_84] : memref<320000x128xf32, #tpu.memory_space<hbm>> -> memref<128x128xf32, #tpu.memory_space<hbm>>
        tpu.enqueue_dma source(%dma_start3A_85 : memref<128x128xf32, #tpu.memory_space<hbm>>) target(%dma_start3A_83 : memref<128x128xf32, #tpu.memory_space<vmem>>) target_semaphore(%dma_start3A_79 : memref<!tpu.dma_semaphore, #tpu.memory_space<semaphore_mem>>)
        %add3A_86 = arith.constant 0 : i32
        %add3A_87 = arith.constant 1 : i32
        %add3A_88 = arith.addi %add3A_86, %add3A_87 : i32
        %select_n3A_89 = arith.constant true
        %select_n3A_90 = arith.constant 0 : i32
        %select_n3A_91 = arith.select %select_n3A_89, %add3A_88, %select_n3A_90 : i32
        %rem3A_92 = arith.constant 0 : i32
        %rem3A_93 = arith.constant 2 : i32
        %rem3A_94 = arith.remui %rem3A_92, %rem3A_93 : i32
        %mul3A_95 = arith.constant 128 : i32
        %mul3A_96 = arith.muli %mul3A_95, %add3A_42 : i32
        %dma_start3A_97 = arith.constant 0 : i32
        %dma_start3A_98 = arith.constant 0 : i32
        %dma_start3A_99 = tpu.memref_slice %run_scoped3A_33[%rem3A_94, %dma_start3A_97, %dma_start3A_98] : memref<2x1x128xi32, #tpu.memory_space<vmem>> -> memref<1x1x128xi32, #tpu.memory_space<vmem>>
        %dma_start3A_100 = tpu.memref_squeeze %dma_start3A_99 : memref<1x1x128xi32, #tpu.memory_space<vmem>> -> memref<1x128xi32, #tpu.memory_space<vmem>>
        %dma_start3A_101 = arith.constant 0 : i32
        %dma_start3A_102 = tpu.memref_slice %arg3[%dma_start3A_101, %mul3A_96] : memref<1x320000xi32, #tpu.memory_space<hbm>> -> memref<1x128xi32, #tpu.memory_space<hbm>>
        %dma_start3A_103 = tpu.memref_slice %run_scoped3A_34[%rem3A_94] : memref<2x!tpu.dma_semaphore, #tpu.memory_space<semaphore_mem>> -> memref<1x!tpu.dma_semaphore, #tpu.memory_space<semaphore_mem>>
        %dma_start3A_104 = tpu.memref_squeeze %dma_start3A_103 : memref<1x!tpu.dma_semaphore, #tpu.memory_space<semaphore_mem>> -> memref<!tpu.dma_semaphore, #tpu.memory_space<semaphore_mem>>
        %dma_start3A_105 = arith.constant 0 : i32
        %dma_start3A_106 = arith.constant 0 : i32
        %dma_start3A_107 = tpu.memref_slice %run_scoped3A_33[%rem3A_94, %dma_start3A_105, %dma_start3A_106] : memref<2x1x128xi32, #tpu.memory_space<vmem>> -> memref<1x1x128xi32, #tpu.memory_space<vmem>>
        %dma_start3A_108 = tpu.memref_squeeze %dma_start3A_107 : memref<1x1x128xi32, #tpu.memory_space<vmem>> -> memref<1x128xi32, #tpu.memory_space<vmem>>
        %dma_start3A_109 = arith.constant 0 : i32
        %dma_start3A_110 = tpu.memref_slice %arg3[%dma_start3A_109, %mul3A_96] : memref<1x320000xi32, #tpu.memory_space<hbm>> -> memref<1x128xi32, #tpu.memory_space<hbm>>
        tpu.enqueue_dma source(%dma_start3A_110 : memref<1x128xi32, #tpu.memory_space<hbm>>) target(%dma_start3A_108 : memref<1x128xi32, #tpu.memory_space<vmem>>) target_semaphore(%dma_start3A_104 : memref<!tpu.dma_semaphore, #tpu.memory_space<semaphore_mem>>)
        %add3A_111 = arith.constant 0 : i32
        %add3A_112 = arith.constant 1 : i32
        %add3A_113 = arith.addi %add3A_111, %add3A_112 : i32
        %select_n3A_114 = arith.constant true
        %select_n3A_115 = arith.constant 0 : i32
        %select_n3A_116 = arith.select %select_n3A_114, %add3A_113, %select_n3A_115 : i32
        %while3A = arith.constant 0 : i32
        %while3A_117 = arith.constant 0 : i32
        %while3A_118 = arith.constant 0 : i32
        %while3A_119 = arith.constant 0 : i32
        "tpu.trace_stop"() : () -> ()
        %while3A_120 = arith.subi %mul3A_22, %while3A : i32
        %while3A_121 = arith.addi %while3A, %while3A_120 : i32
        %while3A_122 = arith.constant 1 : i32
        %while3A_123 = arith.divsi %while3A_120, %while3A_122 : i32
        %while3A_124 = arith.muli %while3A_123, %while3A_122 : i32
        %while3A_125 = arith.addi %while3A, %while3A_124 : i32
        %while3A_126 = arith.constant 1 : i32
        %while3A_127:5 = scf.for %while3A_181 = %while3A to %while3A_125 step %while3A_126 iter_args(%while3A_182 = %select_n3A_91, %while3A_183 = %while3A_117, %while3A_184 = %select_n3A_116, %while3A_185 = %while3A_118, %while3A_186 = %while3A_119) -> (i32, i32, i32, i32, i32)  : i32 {
          %mul3A_187 = arith.constant 1 : i32
          %mul3A_188 = arith.muli %mul3A_187, %select_n3A : i32
          %eq3A_189 = arith.constant 0 : i32
          %eq3A_190 = arith.cmpi eq, %while3A_181, %eq3A_189 : i32
          %sub3A_191 = arith.constant 1 : i32
          %sub3A_192 = arith.subi %mul3A_188, %sub3A_191 : i32
          %eq3A_193 = arith.cmpi eq, %while3A_181, %sub3A_192 : i32
          %add3A_194 = arith.addi %while3A_186, %select_n3A_20 : i32
          %sub3A_195 = arith.constant 1 : i32
          %sub3A_196 = arith.subi %while3A_186, %sub3A_195 : i32
          %select_n3A_197 = arith.constant true
          %select_n3A_198 = arith.select %select_n3A_197, %sub3A_196, %while3A_186 : i32
          %eq3A_199 = arith.constant -1 : i32
          %eq3A_200 = arith.cmpi eq, %select_n3A_198, %eq3A_199 : i32
          %sub3A_201 = arith.constant 1 : i32
          %sub3A_202 = arith.subi %select_n3A, %sub3A_201 : i32
          %select_n3A_203 = arith.select %eq3A_200, %sub3A_202, %select_n3A_198 : i32
          %add3A_204 = arith.addi %select_n3A_203, %select_n3A_20 : i32
          %add3A_205 = arith.constant 1 : i32
          %add3A_206 = arith.addi %while3A_186, %add3A_205 : i32
          %select_n3A_207 = arith.constant true
          %select_n3A_208 = arith.select %select_n3A_207, %add3A_206, %while3A_186 : i32
          %eq3A_209 = arith.cmpi eq, %select_n3A_208, %select_n3A : i32
          %select_n3A_210 = arith.constant 0 : i32
          %select_n3A_211 = arith.select %eq3A_209, %select_n3A_210, %select_n3A_208 : i32
          %add3A_212 = arith.addi %select_n3A_211, %select_n3A_20 : i32
          %add3A_213 = arith.constant 1 : i32
          %add3A_214 = arith.addi %select_n3A_211, %add3A_213 : i32
          %select_n3A_215 = arith.constant true
          %select_n3A_216 = arith.select %select_n3A_215, %add3A_214, %select_n3A_211 : i32
          %eq3A_217 = arith.cmpi eq, %select_n3A_216, %select_n3A : i32
          %select_n3A_218 = arith.constant 0 : i32
          %select_n3A_219 = arith.select %eq3A_217, %select_n3A_218, %select_n3A_216 : i32
          %add3A_220 = arith.addi %select_n3A_219, %select_n3A_20 : i32
          %ne3A = arith.cmpi ne, %add3A_194, %add3A_212 : i32
          %or3A = arith.constant false
          %or3A_221 = arith.ori %or3A, %ne3A : i1
          %or3A_222 = arith.constant false
          %or3A_223 = arith.ori %or3A_221, %or3A_222 : i1
          %sub3A_224 = arith.constant 2 : i32
          %sub3A_225 = arith.subi %mul3A_188, %sub3A_224 : i32
          %add3A_226 = arith.constant 1 : i32
          %add3A_227 = arith.addi %sub3A_225, %add3A_226 : i32
          %ge3A = arith.cmpi sge, %while3A_181, %add3A_227 : i32
          %not3A = arith.constant true
          %not3A_228 = arith.xori %ge3A, %not3A : i1
          %and3A = arith.andi %or3A_223, %not3A_228 : i1
          %convert_element_type3A_229 = arith.extui %and3A : i1 to i32
          %cond3A_230 = arith.constant 0 : i32
          %cond3A_231 = arith.cmpi ne, %convert_element_type3A_229, %cond3A_230 : i32
          scf.if %cond3A_231 {
            "tpu.trace_start"() <{level = 10 : i32, message = "ep_copy_in"}> : () -> ()
            %rem3A_344 = arith.constant 2 : i32
            %rem3A_345 = arith.remui %while3A_182, %rem3A_344 : i32
            %mul3A_346 = arith.constant 128 : i32
            %mul3A_347 = arith.muli %mul3A_346, %add3A_212 : i32
            %dma_start3A_348 = arith.constant 0 : i32
            %dma_start3A_349 = arith.constant 0 : i32
            %dma_start3A_350 = tpu.memref_slice %run_scoped3A[%rem3A_345, %dma_start3A_348, %dma_start3A_349] : memref<2x128x128xf32, #tpu.memory_space<vmem>> -> memref<1x128x128xf32, #tpu.memory_space<vmem>>
            %dma_start3A_351 = tpu.memref_squeeze %dma_start3A_350 : memref<1x128x128xf32, #tpu.memory_space<vmem>> -> memref<128x128xf32, #tpu.memory_space<vmem>>
            %dma_start3A_352 = arith.constant 0 : i32
            %dma_start3A_353 = tpu.memref_slice %arg2[%mul3A_347, %dma_start3A_352] : memref<320000x128xf32, #tpu.memory_space<hbm>> -> memref<128x128xf32, #tpu.memory_space<hbm>>
            %dma_start3A_354 = tpu.memref_slice %run_scoped3A_32[%rem3A_345] : memref<2x!tpu.dma_semaphore, #tpu.memory_space<semaphore_mem>> -> memref<1x!tpu.dma_semaphore, #tpu.memory_space<semaphore_mem>>
            %dma_start3A_355 = tpu.memref_squeeze %dma_start3A_354 : memref<1x!tpu.dma_semaphore, #tpu.memory_space<semaphore_mem>> -> memref<!tpu.dma_semaphore, #tpu.memory_space<semaphore_mem>>
            %dma_start3A_356 = arith.constant 0 : i32
            %dma_start3A_357 = arith.constant 0 : i32
            %dma_start3A_358 = tpu.memref_slice %run_scoped3A[%rem3A_345, %dma_start3A_356, %dma_start3A_357] : memref<2x128x128xf32, #tpu.memory_space<vmem>> -> memref<1x128x128xf32, #tpu.memory_space<vmem>>
            %dma_start3A_359 = tpu.memref_squeeze %dma_start3A_358 : memref<1x128x128xf32, #tpu.memory_space<vmem>> -> memref<128x128xf32, #tpu.memory_space<vmem>>
            %dma_start3A_360 = arith.constant 0 : i32
            %dma_start3A_361 = tpu.memref_slice %arg2[%mul3A_347, %dma_start3A_360] : memref<320000x128xf32, #tpu.memory_space<hbm>> -> memref<128x128xf32, #tpu.memory_space<hbm>>
            tpu.enqueue_dma source(%dma_start3A_361 : memref<128x128xf32, #tpu.memory_space<hbm>>) target(%dma_start3A_359 : memref<128x128xf32, #tpu.memory_space<vmem>>) target_semaphore(%dma_start3A_355 : memref<!tpu.dma_semaphore, #tpu.memory_space<semaphore_mem>>)
            "tpu.trace_stop"() : () -> ()
          } else {
          }
          %and3A_232 = arith.constant true
          %and3A_233 = arith.andi %and3A, %and3A_232 : i1
          %add3A_234 = arith.constant 1 : i32
          %add3A_235 = arith.addi %while3A_182, %add3A_234 : i32
          %select_n3A_236 = arith.select %and3A_233, %add3A_235, %while3A_182 : i32
          %ne3A_237 = arith.cmpi ne, %add3A_194, %add3A_212 : i32
          %or3A_238 = arith.constant false
          %or3A_239 = arith.ori %or3A_238, %ne3A_237 : i1
          %sub3A_240 = arith.constant 2 : i32
          %sub3A_241 = arith.subi %mul3A_188, %sub3A_240 : i32
          %add3A_242 = arith.constant 1 : i32
          %add3A_243 = arith.addi %sub3A_241, %add3A_242 : i32
          %ge3A_244 = arith.cmpi sge, %while3A_181, %add3A_243 : i32
          %not3A_245 = arith.constant true
          %not3A_246 = arith.xori %ge3A_244, %not3A_245 : i1
          %and3A_247 = arith.andi %or3A_239, %not3A_246 : i1
          %convert_element_type3A_248 = arith.extui %and3A_247 : i1 to i32
          %cond3A_249 = arith.constant 0 : i32
          %cond3A_250 = arith.cmpi ne, %convert_element_type3A_248, %cond3A_249 : i32
          scf.if %cond3A_250 {
            "tpu.trace_start"() <{level = 10 : i32, message = "ep_copy_in"}> : () -> ()
            %rem3A_344 = arith.constant 2 : i32
            %rem3A_345 = arith.remui %while3A_184, %rem3A_344 : i32
            %mul3A_346 = arith.constant 128 : i32
            %mul3A_347 = arith.muli %mul3A_346, %add3A_212 : i32
            %dma_start3A_348 = arith.constant 0 : i32
            %dma_start3A_349 = arith.constant 0 : i32
            %dma_start3A_350 = tpu.memref_slice %run_scoped3A_33[%rem3A_345, %dma_start3A_348, %dma_start3A_349] : memref<2x1x128xi32, #tpu.memory_space<vmem>> -> memref<1x1x128xi32, #tpu.memory_space<vmem>>
            %dma_start3A_351 = tpu.memref_squeeze %dma_start3A_350 : memref<1x1x128xi32, #tpu.memory_space<vmem>> -> memref<1x128xi32, #tpu.memory_space<vmem>>
            %dma_start3A_352 = arith.constant 0 : i32
            %dma_start3A_353 = tpu.memref_slice %arg3[%dma_start3A_352, %mul3A_347] : memref<1x320000xi32, #tpu.memory_space<hbm>> -> memref<1x128xi32, #tpu.memory_space<hbm>>
            %dma_start3A_354 = tpu.memref_slice %run_scoped3A_34[%rem3A_345] : memref<2x!tpu.dma_semaphore, #tpu.memory_space<semaphore_mem>> -> memref<1x!tpu.dma_semaphore, #tpu.memory_space<semaphore_mem>>
            %dma_start3A_355 = tpu.memref_squeeze %dma_start3A_354 : memref<1x!tpu.dma_semaphore, #tpu.memory_space<semaphore_mem>> -> memref<!tpu.dma_semaphore, #tpu.memory_space<semaphore_mem>>
            %dma_start3A_356 = arith.constant 0 : i32
            %dma_start3A_357 = arith.constant 0 : i32
            %dma_start3A_358 = tpu.memref_slice %run_scoped3A_33[%rem3A_345, %dma_start3A_356, %dma_start3A_357] : memref<2x1x128xi32, #tpu.memory_space<vmem>> -> memref<1x1x128xi32, #tpu.memory_space<vmem>>
            %dma_start3A_359 = tpu.memref_squeeze %dma_start3A_358 : memref<1x1x128xi32, #tpu.memory_space<vmem>> -> memref<1x128xi32, #tpu.memory_space<vmem>>
            %dma_start3A_360 = arith.constant 0 : i32
            %dma_start3A_361 = tpu.memref_slice %arg3[%dma_start3A_360, %mul3A_347] : memref<1x320000xi32, #tpu.memory_space<hbm>> -> memref<1x128xi32, #tpu.memory_space<hbm>>
            tpu.enqueue_dma source(%dma_start3A_361 : memref<1x128xi32, #tpu.memory_space<hbm>>) target(%dma_start3A_359 : memref<1x128xi32, #tpu.memory_space<vmem>>) target_semaphore(%dma_start3A_355 : memref<!tpu.dma_semaphore, #tpu.memory_space<semaphore_mem>>)
            "tpu.trace_stop"() : () -> ()
          } else {
          }
          %and3A_251 = arith.constant true
          %and3A_252 = arith.andi %and3A_247, %and3A_251 : i1
          %add3A_253 = arith.constant 1 : i32
          %add3A_254 = arith.addi %while3A_184, %add3A_253 : i32
          %select_n3A_255 = arith.select %and3A_252, %add3A_254, %while3A_184 : i32
          %ne3A_256 = arith.cmpi ne, %add3A_194, %add3A_204 : i32
          %or3A_257 = arith.constant false
          %or3A_258 = arith.ori %or3A_257, %ne3A_256 : i1
          %or3A_259 = arith.constant false
          %or3A_260 = arith.ori %or3A_258, %or3A_259 : i1
          %or3A_261 = arith.ori %or3A_260, %eq3A_190 : i1
          %convert_element_type3A_262 = arith.extui %or3A_261 : i1 to i32
          %cond3A_263 = arith.constant 0 : i32
          %cond3A_264 = arith.cmpi ne, %convert_element_type3A_262, %cond3A_263 : i32
          scf.if %cond3A_264 {
            "tpu.trace_start"() <{level = 10 : i32, message = "ep_wait_in"}> : () -> ()
            %mul3A_344 = arith.constant 128 : i32
            %mul3A_345 = arith.muli %mul3A_344, %add3A_194 : i32
            %rem3A_346 = arith.constant 2 : i32
            %rem3A_347 = arith.remui %while3A_183, %rem3A_346 : i32
            %dma_wait3A = arith.constant 0 : i32
            %dma_wait3A_348 = arith.constant 0 : i32
            %dma_wait3A_349 = tpu.memref_slice %run_scoped3A[%rem3A_347, %dma_wait3A, %dma_wait3A_348] : memref<2x128x128xf32, #tpu.memory_space<vmem>> -> memref<1x128x128xf32, #tpu.memory_space<vmem>>
            %dma_wait3A_350 = tpu.memref_squeeze %dma_wait3A_349 : memref<1x128x128xf32, #tpu.memory_space<vmem>> -> memref<128x128xf32, #tpu.memory_space<vmem>>
            %dma_wait3A_351 = arith.constant 0 : i32
            %dma_wait3A_352 = tpu.memref_slice %arg2[%mul3A_345, %dma_wait3A_351] : memref<320000x128xf32, #tpu.memory_space<hbm>> -> memref<128x128xf32, #tpu.memory_space<hbm>>
            %dma_wait3A_353 = tpu.memref_slice %run_scoped3A_32[%rem3A_347] : memref<2x!tpu.dma_semaphore, #tpu.memory_space<semaphore_mem>> -> memref<1x!tpu.dma_semaphore, #tpu.memory_space<semaphore_mem>>
            %dma_wait3A_354 = tpu.memref_squeeze %dma_wait3A_353 : memref<1x!tpu.dma_semaphore, #tpu.memory_space<semaphore_mem>> -> memref<!tpu.dma_semaphore, #tpu.memory_space<semaphore_mem>>
            %dma_wait3A_355 = arith.constant 0 : i32
            %dma_wait3A_356 = arith.constant 0 : i32
            %dma_wait3A_357 = tpu.memref_slice %run_scoped3A[%rem3A_347, %dma_wait3A_355, %dma_wait3A_356] : memref<2x128x128xf32, #tpu.memory_space<vmem>> -> memref<1x128x128xf32, #tpu.memory_space<vmem>>
            %dma_wait3A_358 = tpu.memref_squeeze %dma_wait3A_357 : memref<1x128x128xf32, #tpu.memory_space<vmem>> -> memref<128x128xf32, #tpu.memory_space<vmem>>
            %dma_wait3A_359 = arith.constant 0 : i32
            %dma_wait3A_360 = tpu.memref_slice %arg2[%mul3A_345, %dma_wait3A_359] : memref<320000x128xf32, #tpu.memory_space<hbm>> -> memref<128x128xf32, #tpu.memory_space<hbm>>
            tpu.wait_dma2 semaphore(%dma_wait3A_354 : memref<!tpu.dma_semaphore, #tpu.memory_space<semaphore_mem>>) src(%dma_wait3A_360 : memref<128x128xf32, #tpu.memory_space<hbm>>) dst(%dma_wait3A_358 : memref<128x128xf32, #tpu.memory_space<vmem>>)
            "tpu.trace_stop"() : () -> ()
          } else {
          }
          %ne3A_265 = arith.cmpi ne, %add3A_194, %add3A_204 : i32
          %or3A_266 = arith.constant false
          %or3A_267 = arith.ori %or3A_266, %ne3A_265 : i1
          %or3A_268 = arith.ori %or3A_267, %eq3A_190 : i1
          %convert_element_type3A_269 = arith.extui %or3A_268 : i1 to i32
          %cond3A_270 = arith.constant 0 : i32
          %cond3A_271 = arith.cmpi ne, %convert_element_type3A_269, %cond3A_270 : i32
          scf.if %cond3A_271 {
            "tpu.trace_start"() <{level = 10 : i32, message = "ep_wait_in"}> : () -> ()
            %mul3A_344 = arith.constant 128 : i32
            %mul3A_345 = arith.muli %mul3A_344, %add3A_194 : i32
            %rem3A_346 = arith.constant 2 : i32
            %rem3A_347 = arith.remui %while3A_185, %rem3A_346 : i32
            %dma_wait3A = arith.constant 0 : i32
            %dma_wait3A_348 = arith.constant 0 : i32
            %dma_wait3A_349 = tpu.memref_slice %run_scoped3A_33[%rem3A_347, %dma_wait3A, %dma_wait3A_348] : memref<2x1x128xi32, #tpu.memory_space<vmem>> -> memref<1x1x128xi32, #tpu.memory_space<vmem>>
            %dma_wait3A_350 = tpu.memref_squeeze %dma_wait3A_349 : memref<1x1x128xi32, #tpu.memory_space<vmem>> -> memref<1x128xi32, #tpu.memory_space<vmem>>
            %dma_wait3A_351 = arith.constant 0 : i32
            %dma_wait3A_352 = tpu.memref_slice %arg3[%dma_wait3A_351, %mul3A_345] : memref<1x320000xi32, #tpu.memory_space<hbm>> -> memref<1x128xi32, #tpu.memory_space<hbm>>
            %dma_wait3A_353 = tpu.memref_slice %run_scoped3A_34[%rem3A_347] : memref<2x!tpu.dma_semaphore, #tpu.memory_space<semaphore_mem>> -> memref<1x!tpu.dma_semaphore, #tpu.memory_space<semaphore_mem>>
            %dma_wait3A_354 = tpu.memref_squeeze %dma_wait3A_353 : memref<1x!tpu.dma_semaphore, #tpu.memory_space<semaphore_mem>> -> memref<!tpu.dma_semaphore, #tpu.memory_space<semaphore_mem>>
            %dma_wait3A_355 = arith.constant 0 : i32
            %dma_wait3A_356 = arith.constant 0 : i32
            %dma_wait3A_357 = tpu.memref_slice %run_scoped3A_33[%rem3A_347, %dma_wait3A_355, %dma_wait3A_356] : memref<2x1x128xi32, #tpu.memory_space<vmem>> -> memref<1x1x128xi32, #tpu.memory_space<vmem>>
            %dma_wait3A_358 = tpu.memref_squeeze %dma_wait3A_357 : memref<1x1x128xi32, #tpu.memory_space<vmem>> -> memref<1x128xi32, #tpu.memory_space<vmem>>
            %dma_wait3A_359 = arith.constant 0 : i32
            %dma_wait3A_360 = tpu.memref_slice %arg3[%dma_wait3A_359, %mul3A_345] : memref<1x320000xi32, #tpu.memory_space<hbm>> -> memref<1x128xi32, #tpu.memory_space<hbm>>
            tpu.wait_dma2 semaphore(%dma_wait3A_354 : memref<!tpu.dma_semaphore, #tpu.memory_space<semaphore_mem>>) src(%dma_wait3A_360 : memref<1x128xi32, #tpu.memory_space<hbm>>) dst(%dma_wait3A_358 : memref<1x128xi32, #tpu.memory_space<vmem>>)
            "tpu.trace_stop"() : () -> ()
          } else {
          }
          %rem3A_272 = arith.constant 2 : i32
          %rem3A_273 = arith.remui %while3A_183, %rem3A_272 : i32
          %rem3A_274 = arith.constant 2 : i32
          %rem3A_275 = arith.remui %while3A_185, %rem3A_274 : i32
          %run_scoped3A_276 = arith.constant 0 : i32
          "tpu.trace_start"() <{level = 10 : i32, message = "ep_run_kernel"}> : () -> ()
          "tpu.region"() ({
            %run_scoped3A_344 = tpu.sem_alloc : memref<!tpu.dma_semaphore, #tpu.memory_space<semaphore_mem>>
            %dma_start3A_345 = arith.constant 0 : i32
            %dma_start3A_346 = arith.constant 0 : i32
            %dma_start3A_347 = tpu.memref_slice %run_scoped3A[%rem3A_273, %dma_start3A_345, %dma_start3A_346] : memref<2x128x128xf32, #tpu.memory_space<vmem>> -> memref<1x128x128xf32, #tpu.memory_space<vmem>>
            %dma_start3A_348 = tpu.memref_squeeze %dma_start3A_347 : memref<1x128x128xf32, #tpu.memory_space<vmem>> -> memref<128x128xf32, #tpu.memory_space<vmem>>
            %dma_start3A_349 = arith.constant 0 : i32
            %dma_start3A_350 = arith.constant 0 : i32
            %dma_start3A_351 = tpu.memref_slice %run_scoped3A_33[%rem3A_275, %dma_start3A_349, %dma_start3A_350] : memref<2x1x128xi32, #tpu.memory_space<vmem>> -> memref<1x1x128xi32, #tpu.memory_space<vmem>>
            %dma_start3A_352 = tpu.memref_squeeze %dma_start3A_351 : memref<1x1x128xi32, #tpu.memory_space<vmem>> -> memref<1x128xi32, #tpu.memory_space<vmem>>
            %dma_start3A_353 = arith.constant 0 : i32
            %dma_start3A_354 = tpu.memref_slice %dma_start3A_352[%run_scoped3A_276, %dma_start3A_353] : memref<1x128xi32, #tpu.memory_space<vmem>> -> memref<1x128xi32, #tpu.memory_space<vmem>>
            %dma_start3A_355 = tpu.memref_squeeze %dma_start3A_354 : memref<1x128xi32, #tpu.memory_space<vmem>> -> memref<128xi32, #tpu.memory_space<vmem>>
            %dma_start3A_356 = arith.constant 0 : i32
            %dma_start3A_357 = arith.constant 0 : i32
            %dma_start3A_358 = tpu.memref_slice %arg9[%dma_start3A_356, %dma_start3A_357] : memref<10240x128xf32, #tpu.memory_space<vmem_shared>> -> memref<10240x128xf32, #tpu.memory_space<vmem_shared>>
            tpu.enqueue_indirect_dma source(%dma_start3A_348 : memref<128x128xf32, #tpu.memory_space<vmem>>) target(%dma_start3A_358 : memref<10240x128xf32, #tpu.memory_space<vmem_shared>>) offsets(%dma_start3A_355 : memref<128xi32, #tpu.memory_space<vmem>>) semaphore(%run_scoped3A_344 : memref<!tpu.dma_semaphore, #tpu.memory_space<semaphore_mem>>) {add = true}
            %dma_wait3A = arith.constant 0 : i32
            %dma_wait3A_359 = arith.constant 0 : i32
            %dma_wait3A_360 = tpu.memref_slice %run_scoped3A[%rem3A_273, %dma_wait3A, %dma_wait3A_359] : memref<2x128x128xf32, #tpu.memory_space<vmem>> -> memref<1x128x128xf32, #tpu.memory_space<vmem>>
            %dma_wait3A_361 = tpu.memref_squeeze %dma_wait3A_360 : memref<1x128x128xf32, #tpu.memory_space<vmem>> -> memref<128x128xf32, #tpu.memory_space<vmem>>
            %dma_wait3A_362 = arith.constant 0 : i32
            %dma_wait3A_363 = arith.constant 0 : i32
            %dma_wait3A_364 = tpu.memref_slice %run_scoped3A_33[%rem3A_275, %dma_wait3A_362, %dma_wait3A_363] : memref<2x1x128xi32, #tpu.memory_space<vmem>> -> memref<1x1x128xi32, #tpu.memory_space<vmem>>
            %dma_wait3A_365 = tpu.memref_squeeze %dma_wait3A_364 : memref<1x1x128xi32, #tpu.memory_space<vmem>> -> memref<1x128xi32, #tpu.memory_space<vmem>>
            %dma_wait3A_366 = arith.constant 0 : i32
            %dma_wait3A_367 = tpu.memref_slice %dma_wait3A_365[%run_scoped3A_276, %dma_wait3A_366] : memref<1x128xi32, #tpu.memory_space<vmem>> -> memref<1x128xi32, #tpu.memory_space<vmem>>
            %dma_wait3A_368 = tpu.memref_squeeze %dma_wait3A_367 : memref<1x128xi32, #tpu.memory_space<vmem>> -> memref<128xi32, #tpu.memory_space<vmem>>
            %dma_wait3A_369 = arith.constant 0 : i32
            %dma_wait3A_370 = arith.constant 0 : i32
            %dma_wait3A_371 = tpu.memref_slice %arg9[%dma_wait3A_369, %dma_wait3A_370] : memref<10240x128xf32, #tpu.memory_space<vmem_shared>> -> memref<10240x128xf32, #tpu.memory_space<vmem_shared>>
            tpu.wait_indirect_dma semaphore(%run_scoped3A_344 : memref<!tpu.dma_semaphore, #tpu.memory_space<semaphore_mem>>) src(%dma_wait3A_361 : memref<128x128xf32, #tpu.memory_space<vmem>>) dst(%dma_wait3A_371 : memref<10240x128xf32, #tpu.memory_space<vmem_shared>>)
            tpu.yield
          }) : () -> ()
          "tpu.trace_stop"() : () -> ()
          %ne3A_277 = arith.cmpi ne, %add3A_194, %add3A_212 : i32
          %or3A_278 = arith.constant false
          %or3A_279 = arith.ori %or3A_278, %ne3A_277 : i1
          %or3A_280 = arith.constant false
          %or3A_281 = arith.ori %or3A_279, %or3A_280 : i1
          %or3A_282 = arith.ori %or3A_281, %eq3A_193 : i1
          %convert_element_type3A_283 = arith.extui %or3A_282 : i1 to i32
          %cond3A_284 = arith.constant 0 : i32
          %cond3A_285 = arith.cmpi ne, %convert_element_type3A_283, %cond3A_284 : i32
          scf.if %cond3A_285 {
          } else {
          }
          %and3A_286 = arith.constant false
          %and3A_287 = arith.andi %or3A_282, %and3A_286 : i1
          %ne3A_288 = arith.cmpi ne, %add3A_194, %add3A_212 : i32
          %or3A_289 = arith.constant false
          %or3A_290 = arith.ori %or3A_289, %ne3A_288 : i1
          %or3A_291 = arith.ori %or3A_290, %eq3A_193 : i1
          %convert_element_type3A_292 = arith.extui %or3A_291 : i1 to i32
          %cond3A_293 = arith.constant 0 : i32
          %cond3A_294 = arith.cmpi ne, %convert_element_type3A_292, %cond3A_293 : i32
          scf.if %cond3A_294 {
          } else {
          }
          %and3A_295 = arith.constant false
          %and3A_296 = arith.andi %or3A_291, %and3A_295 : i1
          %ne3A_297 = arith.cmpi ne, %add3A_194, %add3A_204 : i32
          %or3A_298 = arith.constant false
          %or3A_299 = arith.ori %or3A_298, %ne3A_297 : i1
          %or3A_300 = arith.constant false
          %or3A_301 = arith.ori %or3A_299, %or3A_300 : i1
          %not3A_302 = arith.constant true
          %not3A_303 = arith.xori %eq3A_190, %not3A_302 : i1
          %and3A_304 = arith.andi %or3A_301, %not3A_303 : i1
          %convert_element_type3A_305 = arith.extui %and3A_304 : i1 to i32
          %cond3A_306 = arith.constant 0 : i32
          %cond3A_307 = arith.cmpi ne, %convert_element_type3A_305, %cond3A_306 : i32
          scf.if %cond3A_307 {
          } else {
          }
          %and3A_308 = arith.constant false
          %and3A_309 = arith.andi %and3A_304, %and3A_308 : i1
          %ne3A_310 = arith.cmpi ne, %add3A_194, %add3A_204 : i32
          %or3A_311 = arith.constant false
          %or3A_312 = arith.ori %or3A_311, %ne3A_310 : i1
          %not3A_313 = arith.constant true
          %not3A_314 = arith.xori %eq3A_190, %not3A_313 : i1
          %and3A_315 = arith.andi %or3A_312, %not3A_314 : i1
          %convert_element_type3A_316 = arith.extui %and3A_315 : i1 to i32
          %cond3A_317 = arith.constant 0 : i32
          %cond3A_318 = arith.cmpi ne, %convert_element_type3A_316, %cond3A_317 : i32
          scf.if %cond3A_318 {
          } else {
          }
          %and3A_319 = arith.constant false
          %and3A_320 = arith.andi %and3A_315, %and3A_319 : i1
          %ne3A_321 = arith.cmpi ne, %add3A_194, %add3A_212 : i32
          %or3A_322 = arith.constant false
          %or3A_323 = arith.ori %or3A_322, %ne3A_321 : i1
          %or3A_324 = arith.constant false
          %or3A_325 = arith.ori %or3A_323, %or3A_324 : i1
          %or3A_326 = arith.ori %or3A_325, %eq3A_193 : i1
          %add3A_327 = arith.constant 1 : i32
          %add3A_328 = arith.addi %while3A_183, %add3A_327 : i32
          %select_n3A_329 = arith.select %or3A_326, %add3A_328, %while3A_183 : i32
          %ne3A_330 = arith.cmpi ne, %add3A_194, %add3A_212 : i32
          %or3A_331 = arith.constant false
          %or3A_332 = arith.ori %or3A_331, %ne3A_330 : i1
          %or3A_333 = arith.ori %or3A_332, %eq3A_193 : i1
          %add3A_334 = arith.constant 1 : i32
          %add3A_335 = arith.addi %while3A_185, %add3A_334 : i32
          %select_n3A_336 = arith.select %or3A_333, %add3A_335, %while3A_185 : i32
          %add3A_337 = arith.constant 1 : i32
          %add3A_338 = arith.addi %while3A_186, %add3A_337 : i32
          %select_n3A_339 = arith.constant true
          %select_n3A_340 = arith.select %select_n3A_339, %add3A_338, %while3A_186 : i32
          %eq3A_341 = arith.cmpi eq, %select_n3A_340, %select_n3A : i32
          %select_n3A_342 = arith.constant 0 : i32
          %select_n3A_343 = arith.select %eq3A_341, %select_n3A_342, %select_n3A_340 : i32
          scf.yield %select_n3A_236, %select_n3A_329, %select_n3A_255, %select_n3A_336, %select_n3A_343 : i32, i32, i32, i32, i32
        }
        %while3A_128 = arith.constant 1 : i32
        %while3A_129:5 = scf.for %while3A_181 = %while3A_125 to %while3A_121 step %while3A_128 iter_args(%while3A_182 = %while3A_127#0, %while3A_183 = %while3A_127#1, %while3A_184 = %while3A_127#2, %while3A_185 = %while3A_127#3, %while3A_186 = %while3A_127#4) -> (i32, i32, i32, i32, i32)  : i32 {
          %mul3A_187 = arith.constant 1 : i32
          %mul3A_188 = arith.muli %mul3A_187, %select_n3A : i32
          %eq3A_189 = arith.constant 0 : i32
          %eq3A_190 = arith.cmpi eq, %while3A_181, %eq3A_189 : i32
          %sub3A_191 = arith.constant 1 : i32
          %sub3A_192 = arith.subi %mul3A_188, %sub3A_191 : i32
          %eq3A_193 = arith.cmpi eq, %while3A_181, %sub3A_192 : i32
          %add3A_194 = arith.addi %while3A_186, %select_n3A_20 : i32
          %sub3A_195 = arith.constant 1 : i32
          %sub3A_196 = arith.subi %while3A_186, %sub3A_195 : i32
          %select_n3A_197 = arith.constant true
          %select_n3A_198 = arith.select %select_n3A_197, %sub3A_196, %while3A_186 : i32
          %eq3A_199 = arith.constant -1 : i32
          %eq3A_200 = arith.cmpi eq, %select_n3A_198, %eq3A_199 : i32
          %sub3A_201 = arith.constant 1 : i32
          %sub3A_202 = arith.subi %select_n3A, %sub3A_201 : i32
          %select_n3A_203 = arith.select %eq3A_200, %sub3A_202, %select_n3A_198 : i32
          %add3A_204 = arith.addi %select_n3A_203, %select_n3A_20 : i32
          %add3A_205 = arith.constant 1 : i32
          %add3A_206 = arith.addi %while3A_186, %add3A_205 : i32
          %select_n3A_207 = arith.constant true
          %select_n3A_208 = arith.select %select_n3A_207, %add3A_206, %while3A_186 : i32
          %eq3A_209 = arith.cmpi eq, %select_n3A_208, %select_n3A : i32
          %select_n3A_210 = arith.constant 0 : i32
          %select_n3A_211 = arith.select %eq3A_209, %select_n3A_210, %select_n3A_208 : i32
          %add3A_212 = arith.addi %select_n3A_211, %select_n3A_20 : i32
          %add3A_213 = arith.constant 1 : i32
          %add3A_214 = arith.addi %select_n3A_211, %add3A_213 : i32
          %select_n3A_215 = arith.constant true
          %select_n3A_216 = arith.select %select_n3A_215, %add3A_214, %select_n3A_211 : i32
          %eq3A_217 = arith.cmpi eq, %select_n3A_216, %select_n3A : i32
          %select_n3A_218 = arith.constant 0 : i32
          %select_n3A_219 = arith.select %eq3A_217, %select_n3A_218, %select_n3A_216 : i32
          %add3A_220 = arith.addi %select_n3A_219, %select_n3A_20 : i32
          %ne3A = arith.cmpi ne, %add3A_194, %add3A_212 : i32
          %or3A = arith.constant false
          %or3A_221 = arith.ori %or3A, %ne3A : i1
          %or3A_222 = arith.constant false
          %or3A_223 = arith.ori %or3A_221, %or3A_222 : i1
          %sub3A_224 = arith.constant 2 : i32
          %sub3A_225 = arith.subi %mul3A_188, %sub3A_224 : i32
          %add3A_226 = arith.constant 1 : i32
          %add3A_227 = arith.addi %sub3A_225, %add3A_226 : i32
          %ge3A = arith.cmpi sge, %while3A_181, %add3A_227 : i32
          %not3A = arith.constant true
          %not3A_228 = arith.xori %ge3A, %not3A : i1
          %and3A = arith.andi %or3A_223, %not3A_228 : i1
          %convert_element_type3A_229 = arith.extui %and3A : i1 to i32
          %cond3A_230 = arith.constant 0 : i32
          %cond3A_231 = arith.cmpi ne, %convert_element_type3A_229, %cond3A_230 : i32
          scf.if %cond3A_231 {
            "tpu.trace_start"() <{level = 10 : i32, message = "ep_copy_in"}> : () -> ()
            %rem3A_344 = arith.constant 2 : i32
            %rem3A_345 = arith.remui %while3A_182, %rem3A_344 : i32
            %mul3A_346 = arith.constant 128 : i32
            %mul3A_347 = arith.muli %mul3A_346, %add3A_212 : i32
            %dma_start3A_348 = arith.constant 0 : i32
            %dma_start3A_349 = arith.constant 0 : i32
            %dma_start3A_350 = tpu.memref_slice %run_scoped3A[%rem3A_345, %dma_start3A_348, %dma_start3A_349] : memref<2x128x128xf32, #tpu.memory_space<vmem>> -> memref<1x128x128xf32, #tpu.memory_space<vmem>>
            %dma_start3A_351 = tpu.memref_squeeze %dma_start3A_350 : memref<1x128x128xf32, #tpu.memory_space<vmem>> -> memref<128x128xf32, #tpu.memory_space<vmem>>
            %dma_start3A_352 = arith.constant 0 : i32
            %dma_start3A_353 = tpu.memref_slice %arg2[%mul3A_347, %dma_start3A_352] : memref<320000x128xf32, #tpu.memory_space<hbm>> -> memref<128x128xf32, #tpu.memory_space<hbm>>
            %dma_start3A_354 = tpu.memref_slice %run_scoped3A_32[%rem3A_345] : memref<2x!tpu.dma_semaphore, #tpu.memory_space<semaphore_mem>> -> memref<1x!tpu.dma_semaphore, #tpu.memory_space<semaphore_mem>>
            %dma_start3A_355 = tpu.memref_squeeze %dma_start3A_354 : memref<1x!tpu.dma_semaphore, #tpu.memory_space<semaphore_mem>> -> memref<!tpu.dma_semaphore, #tpu.memory_space<semaphore_mem>>
            %dma_start3A_356 = arith.constant 0 : i32
            %dma_start3A_357 = arith.constant 0 : i32
            %dma_start3A_358 = tpu.memref_slice %run_scoped3A[%rem3A_345, %dma_start3A_356, %dma_start3A_357] : memref<2x128x128xf32, #tpu.memory_space<vmem>> -> memref<1x128x128xf32, #tpu.memory_space<vmem>>
            %dma_start3A_359 = tpu.memref_squeeze %dma_start3A_358 : memref<1x128x128xf32, #tpu.memory_space<vmem>> -> memref<128x128xf32, #tpu.memory_space<vmem>>
            %dma_start3A_360 = arith.constant 0 : i32
            %dma_start3A_361 = tpu.memref_slice %arg2[%mul3A_347, %dma_start3A_360] : memref<320000x128xf32, #tpu.memory_space<hbm>> -> memref<128x128xf32, #tpu.memory_space<hbm>>
            tpu.enqueue_dma source(%dma_start3A_361 : memref<128x128xf32, #tpu.memory_space<hbm>>) target(%dma_start3A_359 : memref<128x128xf32, #tpu.memory_space<vmem>>) target_semaphore(%dma_start3A_355 : memref<!tpu.dma_semaphore, #tpu.memory_space<semaphore_mem>>)
            "tpu.trace_stop"() : () -> ()
          } else {
          }
          %and3A_232 = arith.constant true
          %and3A_233 = arith.andi %and3A, %and3A_232 : i1
          %add3A_234 = arith.constant 1 : i32
          %add3A_235 = arith.addi %while3A_182, %add3A_234 : i32
          %select_n3A_236 = arith.select %and3A_233, %add3A_235, %while3A_182 : i32
          %ne3A_237 = arith.cmpi ne, %add3A_194, %add3A_212 : i32
          %or3A_238 = arith.constant false
          %or3A_239 = arith.ori %or3A_238, %ne3A_237 : i1
          %sub3A_240 = arith.constant 2 : i32
          %sub3A_241 = arith.subi %mul3A_188, %sub3A_240 : i32
          %add3A_242 = arith.constant 1 : i32
          %add3A_243 = arith.addi %sub3A_241, %add3A_242 : i32
          %ge3A_244 = arith.cmpi sge, %while3A_181, %add3A_243 : i32
          %not3A_245 = arith.constant true
          %not3A_246 = arith.xori %ge3A_244, %not3A_245 : i1
          %and3A_247 = arith.andi %or3A_239, %not3A_246 : i1
          %convert_element_type3A_248 = arith.extui %and3A_247 : i1 to i32
          %cond3A_249 = arith.constant 0 : i32
          %cond3A_250 = arith.cmpi ne, %convert_element_type3A_248, %cond3A_249 : i32
          scf.if %cond3A_250 {
            "tpu.trace_start"() <{level = 10 : i32, message = "ep_copy_in"}> : () -> ()
            %rem3A_344 = arith.constant 2 : i32
            %rem3A_345 = arith.remui %while3A_184, %rem3A_344 : i32
            %mul3A_346 = arith.constant 128 : i32
            %mul3A_347 = arith.muli %mul3A_346, %add3A_212 : i32
            %dma_start3A_348 = arith.constant 0 : i32
            %dma_start3A_349 = arith.constant 0 : i32
            %dma_start3A_350 = tpu.memref_slice %run_scoped3A_33[%rem3A_345, %dma_start3A_348, %dma_start3A_349] : memref<2x1x128xi32, #tpu.memory_space<vmem>> -> memref<1x1x128xi32, #tpu.memory_space<vmem>>
            %dma_start3A_351 = tpu.memref_squeeze %dma_start3A_350 : memref<1x1x128xi32, #tpu.memory_space<vmem>> -> memref<1x128xi32, #tpu.memory_space<vmem>>
            %dma_start3A_352 = arith.constant 0 : i32
            %dma_start3A_353 = tpu.memref_slice %arg3[%dma_start3A_352, %mul3A_347] : memref<1x320000xi32, #tpu.memory_space<hbm>> -> memref<1x128xi32, #tpu.memory_space<hbm>>
            %dma_start3A_354 = tpu.memref_slice %run_scoped3A_34[%rem3A_345] : memref<2x!tpu.dma_semaphore, #tpu.memory_space<semaphore_mem>> -> memref<1x!tpu.dma_semaphore, #tpu.memory_space<semaphore_mem>>
            %dma_start3A_355 = tpu.memref_squeeze %dma_start3A_354 : memref<1x!tpu.dma_semaphore, #tpu.memory_space<semaphore_mem>> -> memref<!tpu.dma_semaphore, #tpu.memory_space<semaphore_mem>>
            %dma_start3A_356 = arith.constant 0 : i32
            %dma_start3A_357 = arith.constant 0 : i32
            %dma_start3A_358 = tpu.memref_slice %run_scoped3A_33[%rem3A_345, %dma_start3A_356, %dma_start3A_357] : memref<2x1x128xi32, #tpu.memory_space<vmem>> -> memref<1x1x128xi32, #tpu.memory_space<vmem>>
            %dma_start3A_359 = tpu.memref_squeeze %dma_start3A_358 : memref<1x1x128xi32, #tpu.memory_space<vmem>> -> memref<1x128xi32, #tpu.memory_space<vmem>>
            %dma_start3A_360 = arith.constant 0 : i32
            %dma_start3A_361 = tpu.memref_slice %arg3[%dma_start3A_360, %mul3A_347] : memref<1x320000xi32, #tpu.memory_space<hbm>> -> memref<1x128xi32, #tpu.memory_space<hbm>>
            tpu.enqueue_dma source(%dma_start3A_361 : memref<1x128xi32, #tpu.memory_space<hbm>>) target(%dma_start3A_359 : memref<1x128xi32, #tpu.memory_space<vmem>>) target_semaphore(%dma_start3A_355 : memref<!tpu.dma_semaphore, #tpu.memory_space<semaphore_mem>>)
            "tpu.trace_stop"() : () -> ()
          } else {
          }
          %and3A_251 = arith.constant true
          %and3A_252 = arith.andi %and3A_247, %and3A_251 : i1
          %add3A_253 = arith.constant 1 : i32
          %add3A_254 = arith.addi %while3A_184, %add3A_253 : i32
          %select_n3A_255 = arith.select %and3A_252, %add3A_254, %while3A_184 : i32
          %ne3A_256 = arith.cmpi ne, %add3A_194, %add3A_204 : i32
          %or3A_257 = arith.constant false
          %or3A_258 = arith.ori %or3A_257, %ne3A_256 : i1
          %or3A_259 = arith.constant false
          %or3A_260 = arith.ori %or3A_258, %or3A_259 : i1
          %or3A_261 = arith.ori %or3A_260, %eq3A_190 : i1
          %convert_element_type3A_262 = arith.extui %or3A_261 : i1 to i32
          %cond3A_263 = arith.constant 0 : i32
          %cond3A_264 = arith.cmpi ne, %convert_element_type3A_262, %cond3A_263 : i32
          scf.if %cond3A_264 {
            "tpu.trace_start"() <{level = 10 : i32, message = "ep_wait_in"}> : () -> ()
            %mul3A_344 = arith.constant 128 : i32
            %mul3A_345 = arith.muli %mul3A_344, %add3A_194 : i32
            %rem3A_346 = arith.constant 2 : i32
            %rem3A_347 = arith.remui %while3A_183, %rem3A_346 : i32
            %dma_wait3A = arith.constant 0 : i32
            %dma_wait3A_348 = arith.constant 0 : i32
            %dma_wait3A_349 = tpu.memref_slice %run_scoped3A[%rem3A_347, %dma_wait3A, %dma_wait3A_348] : memref<2x128x128xf32, #tpu.memory_space<vmem>> -> memref<1x128x128xf32, #tpu.memory_space<vmem>>
            %dma_wait3A_350 = tpu.memref_squeeze %dma_wait3A_349 : memref<1x128x128xf32, #tpu.memory_space<vmem>> -> memref<128x128xf32, #tpu.memory_space<vmem>>
            %dma_wait3A_351 = arith.constant 0 : i32
            %dma_wait3A_352 = tpu.memref_slice %arg2[%mul3A_345, %dma_wait3A_351] : memref<320000x128xf32, #tpu.memory_space<hbm>> -> memref<128x128xf32, #tpu.memory_space<hbm>>
            %dma_wait3A_353 = tpu.memref_slice %run_scoped3A_32[%rem3A_347] : memref<2x!tpu.dma_semaphore, #tpu.memory_space<semaphore_mem>> -> memref<1x!tpu.dma_semaphore, #tpu.memory_space<semaphore_mem>>
            %dma_wait3A_354 = tpu.memref_squeeze %dma_wait3A_353 : memref<1x!tpu.dma_semaphore, #tpu.memory_space<semaphore_mem>> -> memref<!tpu.dma_semaphore, #tpu.memory_space<semaphore_mem>>
            %dma_wait3A_355 = arith.constant 0 : i32
            %dma_wait3A_356 = arith.constant 0 : i32
            %dma_wait3A_357 = tpu.memref_slice %run_scoped3A[%rem3A_347, %dma_wait3A_355, %dma_wait3A_356] : memref<2x128x128xf32, #tpu.memory_space<vmem>> -> memref<1x128x128xf32, #tpu.memory_space<vmem>>
            %dma_wait3A_358 = tpu.memref_squeeze %dma_wait3A_357 : memref<1x128x128xf32, #tpu.memory_space<vmem>> -> memref<128x128xf32, #tpu.memory_space<vmem>>
            %dma_wait3A_359 = arith.constant 0 : i32
            %dma_wait3A_360 = tpu.memref_slice %arg2[%mul3A_345, %dma_wait3A_359] : memref<320000x128xf32, #tpu.memory_space<hbm>> -> memref<128x128xf32, #tpu.memory_space<hbm>>
            tpu.wait_dma2 semaphore(%dma_wait3A_354 : memref<!tpu.dma_semaphore, #tpu.memory_space<semaphore_mem>>) src(%dma_wait3A_360 : memref<128x128xf32, #tpu.memory_space<hbm>>) dst(%dma_wait3A_358 : memref<128x128xf32, #tpu.memory_space<vmem>>)
            "tpu.trace_stop"() : () -> ()
          } else {
          }
          %ne3A_265 = arith.cmpi ne, %add3A_194, %add3A_204 : i32
          %or3A_266 = arith.constant false
          %or3A_267 = arith.ori %or3A_266, %ne3A_265 : i1
          %or3A_268 = arith.ori %or3A_267, %eq3A_190 : i1
          %convert_element_type3A_269 = arith.extui %or3A_268 : i1 to i32
          %cond3A_270 = arith.constant 0 : i32
          %cond3A_271 = arith.cmpi ne, %convert_element_type3A_269, %cond3A_270 : i32
          scf.if %cond3A_271 {
            "tpu.trace_start"() <{level = 10 : i32, message = "ep_wait_in"}> : () -> ()
            %mul3A_344 = arith.constant 128 : i32
            %mul3A_345 = arith.muli %mul3A_344, %add3A_194 : i32
            %rem3A_346 = arith.constant 2 : i32
            %rem3A_347 = arith.remui %while3A_185, %rem3A_346 : i32
            %dma_wait3A = arith.constant 0 : i32
            %dma_wait3A_348 = arith.constant 0 : i32
            %dma_wait3A_349 = tpu.memref_slice %run_scoped3A_33[%rem3A_347, %dma_wait3A, %dma_wait3A_348] : memref<2x1x128xi32, #tpu.memory_space<vmem>> -> memref<1x1x128xi32, #tpu.memory_space<vmem>>
            %dma_wait3A_350 = tpu.memref_squeeze %dma_wait3A_349 : memref<1x1x128xi32, #tpu.memory_space<vmem>> -> memref<1x128xi32, #tpu.memory_space<vmem>>
            %dma_wait3A_351 = arith.constant 0 : i32
            %dma_wait3A_352 = tpu.memref_slice %arg3[%dma_wait3A_351, %mul3A_345] : memref<1x320000xi32, #tpu.memory_space<hbm>> -> memref<1x128xi32, #tpu.memory_space<hbm>>
            %dma_wait3A_353 = tpu.memref_slice %run_scoped3A_34[%rem3A_347] : memref<2x!tpu.dma_semaphore, #tpu.memory_space<semaphore_mem>> -> memref<1x!tpu.dma_semaphore, #tpu.memory_space<semaphore_mem>>
            %dma_wait3A_354 = tpu.memref_squeeze %dma_wait3A_353 : memref<1x!tpu.dma_semaphore, #tpu.memory_space<semaphore_mem>> -> memref<!tpu.dma_semaphore, #tpu.memory_space<semaphore_mem>>
            %dma_wait3A_355 = arith.constant 0 : i32
            %dma_wait3A_356 = arith.constant 0 : i32
            %dma_wait3A_357 = tpu.memref_slice %run_scoped3A_33[%rem3A_347, %dma_wait3A_355, %dma_wait3A_356] : memref<2x1x128xi32, #tpu.memory_space<vmem>> -> memref<1x1x128xi32, #tpu.memory_space<vmem>>
            %dma_wait3A_358 = tpu.memref_squeeze %dma_wait3A_357 : memref<1x1x128xi32, #tpu.memory_space<vmem>> -> memref<1x128xi32, #tpu.memory_space<vmem>>
            %dma_wait3A_359 = arith.constant 0 : i32
            %dma_wait3A_360 = tpu.memref_slice %arg3[%dma_wait3A_359, %mul3A_345] : memref<1x320000xi32, #tpu.memory_space<hbm>> -> memref<1x128xi32, #tpu.memory_space<hbm>>
            tpu.wait_dma2 semaphore(%dma_wait3A_354 : memref<!tpu.dma_semaphore, #tpu.memory_space<semaphore_mem>>) src(%dma_wait3A_360 : memref<1x128xi32, #tpu.memory_space<hbm>>) dst(%dma_wait3A_358 : memref<1x128xi32, #tpu.memory_space<vmem>>)
            "tpu.trace_stop"() : () -> ()
          } else {
          }
          %rem3A_272 = arith.constant 2 : i32
          %rem3A_273 = arith.remui %while3A_183, %rem3A_272 : i32
          %rem3A_274 = arith.constant 2 : i32
          %rem3A_275 = arith.remui %while3A_185, %rem3A_274 : i32
          %run_scoped3A_276 = arith.constant 0 : i32
          "tpu.trace_start"() <{level = 10 : i32, message = "ep_run_kernel"}> : () -> ()
          "tpu.region"() ({
            %run_scoped3A_344 = tpu.sem_alloc : memref<!tpu.dma_semaphore, #tpu.memory_space<semaphore_mem>>
            %dma_start3A_345 = arith.constant 0 : i32
            %dma_start3A_346 = arith.constant 0 : i32
            %dma_start3A_347 = tpu.memref_slice %run_scoped3A[%rem3A_273, %dma_start3A_345, %dma_start3A_346] : memref<2x128x128xf32, #tpu.memory_space<vmem>> -> memref<1x128x128xf32, #tpu.memory_space<vmem>>
            %dma_start3A_348 = tpu.memref_squeeze %dma_start3A_347 : memref<1x128x128xf32, #tpu.memory_space<vmem>> -> memref<128x128xf32, #tpu.memory_space<vmem>>
            %dma_start3A_349 = arith.constant 0 : i32
            %dma_start3A_350 = arith.constant 0 : i32
            %dma_start3A_351 = tpu.memref_slice %run_scoped3A_33[%rem3A_275, %dma_start3A_349, %dma_start3A_350] : memref<2x1x128xi32, #tpu.memory_space<vmem>> -> memref<1x1x128xi32, #tpu.memory_space<vmem>>
            %dma_start3A_352 = tpu.memref_squeeze %dma_start3A_351 : memref<1x1x128xi32, #tpu.memory_space<vmem>> -> memref<1x128xi32, #tpu.memory_space<vmem>>
            %dma_start3A_353 = arith.constant 0 : i32
            %dma_start3A_354 = tpu.memref_slice %dma_start3A_352[%run_scoped3A_276, %dma_start3A_353] : memref<1x128xi32, #tpu.memory_space<vmem>> -> memref<1x128xi32, #tpu.memory_space<vmem>>
            %dma_start3A_355 = tpu.memref_squeeze %dma_start3A_354 : memref<1x128xi32, #tpu.memory_space<vmem>> -> memref<128xi32, #tpu.memory_space<vmem>>
            %dma_start3A_356 = arith.constant 0 : i32
            %dma_start3A_357 = arith.constant 0 : i32
            %dma_start3A_358 = tpu.memref_slice %arg9[%dma_start3A_356, %dma_start3A_357] : memref<10240x128xf32, #tpu.memory_space<vmem_shared>> -> memref<10240x128xf32, #tpu.memory_space<vmem_shared>>
            tpu.enqueue_indirect_dma source(%dma_start3A_348 : memref<128x128xf32, #tpu.memory_space<vmem>>) target(%dma_start3A_358 : memref<10240x128xf32, #tpu.memory_space<vmem_shared>>) offsets(%dma_start3A_355 : memref<128xi32, #tpu.memory_space<vmem>>) semaphore(%run_scoped3A_344 : memref<!tpu.dma_semaphore, #tpu.memory_space<semaphore_mem>>) {add = true}
            %dma_wait3A = arith.constant 0 : i32
            %dma_wait3A_359 = arith.constant 0 : i32
            %dma_wait3A_360 = tpu.memref_slice %run_scoped3A[%rem3A_273, %dma_wait3A, %dma_wait3A_359] : memref<2x128x128xf32, #tpu.memory_space<vmem>> -> memref<1x128x128xf32, #tpu.memory_space<vmem>>
            %dma_wait3A_361 = tpu.memref_squeeze %dma_wait3A_360 : memref<1x128x128xf32, #tpu.memory_space<vmem>> -> memref<128x128xf32, #tpu.memory_space<vmem>>
            %dma_wait3A_362 = arith.constant 0 : i32
            %dma_wait3A_363 = arith.constant 0 : i32
            %dma_wait3A_364 = tpu.memref_slice %run_scoped3A_33[%rem3A_275, %dma_wait3A_362, %dma_wait3A_363] : memref<2x1x128xi32, #tpu.memory_space<vmem>> -> memref<1x1x128xi32, #tpu.memory_space<vmem>>
            %dma_wait3A_365 = tpu.memref_squeeze %dma_wait3A_364 : memref<1x1x128xi32, #tpu.memory_space<vmem>> -> memref<1x128xi32, #tpu.memory_space<vmem>>
            %dma_wait3A_366 = arith.constant 0 : i32
            %dma_wait3A_367 = tpu.memref_slice %dma_wait3A_365[%run_scoped3A_276, %dma_wait3A_366] : memref<1x128xi32, #tpu.memory_space<vmem>> -> memref<1x128xi32, #tpu.memory_space<vmem>>
            %dma_wait3A_368 = tpu.memref_squeeze %dma_wait3A_367 : memref<1x128xi32, #tpu.memory_space<vmem>> -> memref<128xi32, #tpu.memory_space<vmem>>
            %dma_wait3A_369 = arith.constant 0 : i32
            %dma_wait3A_370 = arith.constant 0 : i32
            %dma_wait3A_371 = tpu.memref_slice %arg9[%dma_wait3A_369, %dma_wait3A_370] : memref<10240x128xf32, #tpu.memory_space<vmem_shared>> -> memref<10240x128xf32, #tpu.memory_space<vmem_shared>>
            tpu.wait_indirect_dma semaphore(%run_scoped3A_344 : memref<!tpu.dma_semaphore, #tpu.memory_space<semaphore_mem>>) src(%dma_wait3A_361 : memref<128x128xf32, #tpu.memory_space<vmem>>) dst(%dma_wait3A_371 : memref<10240x128xf32, #tpu.memory_space<vmem_shared>>)
            tpu.yield
          }) : () -> ()
          "tpu.trace_stop"() : () -> ()
          %ne3A_277 = arith.cmpi ne, %add3A_194, %add3A_212 : i32
          %or3A_278 = arith.constant false
          %or3A_279 = arith.ori %or3A_278, %ne3A_277 : i1
          %or3A_280 = arith.constant false
          %or3A_281 = arith.ori %or3A_279, %or3A_280 : i1
          %or3A_282 = arith.ori %or3A_281, %eq3A_193 : i1
          %convert_element_type3A_283 = arith.extui %or3A_282 : i1 to i32
          %cond3A_284 = arith.constant 0 : i32
          %cond3A_285 = arith.cmpi ne, %convert_element_type3A_283, %cond3A_284 : i32
          scf.if %cond3A_285 {
          } else {
          }
          %and3A_286 = arith.constant false
          %and3A_287 = arith.andi %or3A_282, %and3A_286 : i1
          %ne3A_288 = arith.cmpi ne, %add3A_194, %add3A_212 : i32
          %or3A_289 = arith.constant false
          %or3A_290 = arith.ori %or3A_289, %ne3A_288 : i1
          %or3A_291 = arith.ori %or3A_290, %eq3A_193 : i1
          %convert_element_type3A_292 = arith.extui %or3A_291 : i1 to i32
          %cond3A_293 = arith.constant 0 : i32
          %cond3A_294 = arith.cmpi ne, %convert_element_type3A_292, %cond3A_293 : i32
          scf.if %cond3A_294 {
          } else {
          }
          %and3A_295 = arith.constant false
          %and3A_296 = arith.andi %or3A_291, %and3A_295 : i1
          %ne3A_297 = arith.cmpi ne, %add3A_194, %add3A_204 : i32
          %or3A_298 = arith.constant false
          %or3A_299 = arith.ori %or3A_298, %ne3A_297 : i1
          %or3A_300 = arith.constant false
          %or3A_301 = arith.ori %or3A_299, %or3A_300 : i1
          %not3A_302 = arith.constant true
          %not3A_303 = arith.xori %eq3A_190, %not3A_302 : i1
          %and3A_304 = arith.andi %or3A_301, %not3A_303 : i1
          %convert_element_type3A_305 = arith.extui %and3A_304 : i1 to i32
          %cond3A_306 = arith.constant 0 : i32
          %cond3A_307 = arith.cmpi ne, %convert_element_type3A_305, %cond3A_306 : i32
          scf.if %cond3A_307 {
          } else {
          }
          %and3A_308 = arith.constant false
          %and3A_309 = arith.andi %and3A_304, %and3A_308 : i1
          %ne3A_310 = arith.cmpi ne, %add3A_194, %add3A_204 : i32
          %or3A_311 = arith.constant false
          %or3A_312 = arith.ori %or3A_311, %ne3A_310 : i1
          %not3A_313 = arith.constant true
          %not3A_314 = arith.xori %eq3A_190, %not3A_313 : i1
          %and3A_315 = arith.andi %or3A_312, %not3A_314 : i1
          %convert_element_type3A_316 = arith.extui %and3A_315 : i1 to i32
          %cond3A_317 = arith.constant 0 : i32
          %cond3A_318 = arith.cmpi ne, %convert_element_type3A_316, %cond3A_317 : i32
          scf.if %cond3A_318 {
          } else {
          }
          %and3A_319 = arith.constant false
          %and3A_320 = arith.andi %and3A_315, %and3A_319 : i1
          %ne3A_321 = arith.cmpi ne, %add3A_194, %add3A_212 : i32
          %or3A_322 = arith.constant false
          %or3A_323 = arith.ori %or3A_322, %ne3A_321 : i1
          %or3A_324 = arith.constant false
          %or3A_325 = arith.ori %or3A_323, %or3A_324 : i1
          %or3A_326 = arith.ori %or3A_325, %eq3A_193 : i1
          %add3A_327 = arith.constant 1 : i32
          %add3A_328 = arith.addi %while3A_183, %add3A_327 : i32
          %select_n3A_329 = arith.select %or3A_326, %add3A_328, %while3A_183 : i32
          %ne3A_330 = arith.cmpi ne, %add3A_194, %add3A_212 : i32
          %or3A_331 = arith.constant false
          %or3A_332 = arith.ori %or3A_331, %ne3A_330 : i1
          %or3A_333 = arith.ori %or3A_332, %eq3A_193 : i1
          %add3A_334 = arith.constant 1 : i32
          %add3A_335 = arith.addi %while3A_185, %add3A_334 : i32
          %select_n3A_336 = arith.select %or3A_333, %add3A_335, %while3A_185 : i32
          %add3A_337 = arith.constant 1 : i32
          %add3A_338 = arith.addi %while3A_186, %add3A_337 : i32
          %select_n3A_339 = arith.constant true
          %select_n3A_340 = arith.select %select_n3A_339, %add3A_338, %while3A_186 : i32
          %eq3A_341 = arith.cmpi eq, %select_n3A_340, %select_n3A : i32
          %select_n3A_342 = arith.constant 0 : i32
          %select_n3A_343 = arith.select %eq3A_341, %select_n3A_342, %select_n3A_340 : i32
          scf.yield %select_n3A_236, %select_n3A_329, %select_n3A_255, %select_n3A_336, %select_n3A_343 : i32, i32, i32, i32, i32
        }
        %sub3A_130 = arith.constant 1 : i32
        %sub3A_131 = arith.subi %while3A_129#4, %sub3A_130 : i32
        %select_n3A_132 = arith.constant true
        %select_n3A_133 = arith.select %select_n3A_132, %sub3A_131, %while3A_129#4 : i32
        %eq3A_134 = arith.constant -1 : i32
        %eq3A_135 = arith.cmpi eq, %select_n3A_133, %eq3A_134 : i32
        %sub3A_136 = arith.constant 1 : i32
        %sub3A_137 = arith.subi %select_n3A, %sub3A_136 : i32
        %select_n3A_138 = arith.select %eq3A_135, %sub3A_137, %select_n3A_133 : i32
        %sub3A_139 = arith.constant 1 : i32
        %sub3A_140 = arith.subi %mul3A_22, %sub3A_139 : i32
        %mul3A_141 = arith.constant 1 : i32
        %mul3A_142 = arith.muli %mul3A_141, %select_n3A : i32
        %eq3A_143 = arith.constant 0 : i32
        %eq3A_144 = arith.cmpi eq, %sub3A_140, %eq3A_143 : i32
        %sub3A_145 = arith.constant 1 : i32
        %sub3A_146 = arith.subi %mul3A_142, %sub3A_145 : i32
        %eq3A_147 = arith.cmpi eq, %sub3A_140, %sub3A_146 : i32
        %add3A_148 = arith.addi %select_n3A_138, %select_n3A_20 : i32
        %sub3A_149 = arith.constant 1 : i32
        %sub3A_150 = arith.subi %select_n3A_138, %sub3A_149 : i32
        %select_n3A_151 = arith.constant true
        %select_n3A_152 = arith.select %select_n3A_151, %sub3A_150, %select_n3A_138 : i32
        %eq3A_153 = arith.constant -1 : i32
        %eq3A_154 = arith.cmpi eq, %select_n3A_152, %eq3A_153 : i32
        %sub3A_155 = arith.constant 1 : i32
        %sub3A_156 = arith.subi %select_n3A, %sub3A_155 : i32
        %select_n3A_157 = arith.select %eq3A_154, %sub3A_156, %select_n3A_152 : i32
        %add3A_158 = arith.addi %select_n3A_157, %select_n3A_20 : i32
        %add3A_159 = arith.constant 1 : i32
        %add3A_160 = arith.addi %select_n3A_138, %add3A_159 : i32
        %select_n3A_161 = arith.constant true
        %select_n3A_162 = arith.select %select_n3A_161, %add3A_160, %select_n3A_138 : i32
        %eq3A_163 = arith.cmpi eq, %select_n3A_162, %select_n3A : i32
        %select_n3A_164 = arith.constant 0 : i32
        %select_n3A_165 = arith.select %eq3A_163, %select_n3A_164, %select_n3A_162 : i32
        %add3A_166 = arith.addi %select_n3A_165, %select_n3A_20 : i32
        %add3A_167 = arith.constant 1 : i32
        %add3A_168 = arith.addi %select_n3A_165, %add3A_167 : i32
        %select_n3A_169 = arith.constant true
        %select_n3A_170 = arith.select %select_n3A_169, %add3A_168, %select_n3A_165 : i32
        %eq3A_171 = arith.cmpi eq, %select_n3A_170, %select_n3A : i32
        %select_n3A_172 = arith.constant 0 : i32
        %select_n3A_173 = arith.select %eq3A_171, %select_n3A_172, %select_n3A_170 : i32
        %add3A_174 = arith.addi %select_n3A_173, %select_n3A_20 : i32
        %convert_element_type3A_175 = arith.extui %eq3A_147 : i1 to i32
        %cond3A_176 = arith.constant 0 : i32
        %cond3A_177 = arith.cmpi ne, %convert_element_type3A_175, %cond3A_176 : i32
        scf.if %cond3A_177 {
        } else {
        }
        %convert_element_type3A_178 = arith.extui %eq3A_147 : i1 to i32
        %cond3A_179 = arith.constant 0 : i32
        %cond3A_180 = arith.cmpi ne, %convert_element_type3A_178, %cond3A_179 : i32
        scf.if %cond3A_180 {
        } else {
        }
      } else {
      }
      tpu.yield
    }) : () -> ()
    %barrier3A_23 = arith.constant 0 : index
    tpu.barrier barrier_id(%barrier3A_23)
    %mul3A_24 = arith.constant 10240 : i32
    %mul3A_25 = arith.muli %arg0, %mul3A_24 : i32
    %add3A_26 = arith.addi %mul3A_25, %mul3A_0 : i32
    %scan3A_27 = arith.constant 0 : i32
    %scan3A_28 = arith.constant 10 : i32
    %scan3A_29 = arith.addi %scan3A_27, %scan3A_28 : i32
    %scan3A_30 = arith.constant 1 : i32
    scf.for %scan3A_32 = %scan3A_27 to %scan3A_29 step %scan3A_30  : i32 {
      %mul3A_33 = arith.constant 1 : i32
      %mul3A_34 = arith.muli %scan3A_32, %mul3A_33 : i32
      %add3A_35 = arith.constant 0 : i32
      %add3A_36 = arith.addi %add3A_35, %mul3A_34 : i32
      %mul3A_37 = arith.constant 64 : i32
      %mul3A_38 = arith.muli %add3A_36, %mul3A_37 : i32
      %add3A_39 = arith.addi %mul3A_0, %mul3A_38 : i32
      %mul3A_40 = arith.constant 64 : i32
      %mul3A_41 = arith.muli %add3A_36, %mul3A_40 : i32
      %add3A_42 = arith.addi %add3A_26, %mul3A_41 : i32
      "tpu.region"() ({
        %run_scoped3A = tpu.sem_alloc : memref<!tpu.dma_semaphore, #tpu.memory_space<semaphore_mem>>
        %dma_start3A_47 = tpu.memref_slice %arg5[%add3A_39] : memref<10240xi32, #tpu.memory_space<hbm>> -> memref<64xi32, #tpu.memory_space<hbm>>
        %dma_start3A_48 = tpu.memref_slice %arg5[%add3A_39] : memref<10240xi32, #tpu.memory_space<hbm>> -> memref<64xi32, #tpu.memory_space<hbm>>
        tpu.enqueue_dma source(%dma_start3A_48 : memref<64xi32, #tpu.memory_space<hbm>>) target(%arg7 : memref<64xi32, #tpu.memory_space<vmem>>) target_semaphore(%run_scoped3A : memref<!tpu.dma_semaphore, #tpu.memory_space<semaphore_mem>>)
        %dma_wait3A_49 = tpu.memref_slice %arg5[%add3A_39] : memref<10240xi32, #tpu.memory_space<hbm>> -> memref<64xi32, #tpu.memory_space<hbm>>
        %dma_wait3A_50 = tpu.memref_slice %arg5[%add3A_39] : memref<10240xi32, #tpu.memory_space<hbm>> -> memref<64xi32, #tpu.memory_space<hbm>>
        tpu.wait_dma2 semaphore(%run_scoped3A : memref<!tpu.dma_semaphore, #tpu.memory_space<semaphore_mem>>) src(%dma_wait3A_50 : memref<64xi32, #tpu.memory_space<hbm>>) dst(%arg7 : memref<64xi32, #tpu.memory_space<vmem>>)
        tpu.yield
      }) : () -> ()
      %dma_start3A = arith.constant 0 : i32
      %dma_start3A_43 = arith.constant 0 : i32
      %dma_start3A_44 = tpu.memref_slice %arg9[%dma_start3A, %dma_start3A_43] : memref<10240x128xf32, #tpu.memory_space<vmem_shared>> -> memref<10240x128xf32, #tpu.memory_space<vmem_shared>>
      tpu.enqueue_indirect_dma source(%dma_start3A_44 : memref<10240x128xf32, #tpu.memory_space<vmem_shared>>) target(%arg8 : memref<64x128xf32, #tpu.memory_space<vmem>>) offsets(%arg7 : memref<64xi32, #tpu.memory_space<vmem>>) semaphore(%arg10 : memref<!tpu.dma_semaphore, #tpu.memory_space<semaphore_mem>>)
      %dma_wait3A = arith.constant 0 : i32
      %dma_wait3A_45 = arith.constant 0 : i32
      %dma_wait3A_46 = tpu.memref_slice %arg9[%dma_wait3A, %dma_wait3A_45] : memref<10240x128xf32, #tpu.memory_space<vmem_shared>> -> memref<10240x128xf32, #tpu.memory_space<vmem_shared>>
      tpu.wait_indirect_dma semaphore(%arg10 : memref<!tpu.dma_semaphore, #tpu.memory_space<semaphore_mem>>) src(%dma_wait3A_46 : memref<10240x128xf32, #tpu.memory_space<vmem_shared>>) dst(%arg8 : memref<64x128xf32, #tpu.memory_space<vmem>>)
      "tpu.region"() ({
        %run_scoped3A = tpu.sem_alloc : memref<!tpu.dma_semaphore, #tpu.memory_space<semaphore_mem>>
        %dma_start3A_47 = arith.constant 0 : i32
        %dma_start3A_48 = tpu.memref_slice %arg6[%add3A_42, %dma_start3A_47] : memref<20480x128xf32, #tpu.memory_space<hbm>> -> memref<64x128xf32, #tpu.memory_space<hbm>>
        %dma_start3A_49 = arith.constant 0 : i32
        %dma_start3A_50 = tpu.memref_slice %arg6[%add3A_42, %dma_start3A_49] : memref<20480x128xf32, #tpu.memory_space<hbm>> -> memref<64x128xf32, #tpu.memory_space<hbm>>
        tpu.enqueue_dma source(%arg8 : memref<64x128xf32, #tpu.memory_space<vmem>>) target(%dma_start3A_50 : memref<64x128xf32, #tpu.memory_space<hbm>>) target_semaphore(%run_scoped3A : memref<!tpu.dma_semaphore, #tpu.memory_space<semaphore_mem>>)
        %dma_wait3A_51 = arith.constant 0 : i32
        %dma_wait3A_52 = tpu.memref_slice %arg6[%add3A_42, %dma_wait3A_51] : memref<20480x128xf32, #tpu.memory_space<hbm>> -> memref<64x128xf32, #tpu.memory_space<hbm>>
        %dma_wait3A_53 = arith.constant 0 : i32
        %dma_wait3A_54 = tpu.memref_slice %arg6[%add3A_42, %dma_wait3A_53] : memref<20480x128xf32, #tpu.memory_space<hbm>> -> memref<64x128xf32, #tpu.memory_space<hbm>>
        tpu.wait_dma2 semaphore(%run_scoped3A : memref<!tpu.dma_semaphore, #tpu.memory_space<semaphore_mem>>) src(%arg8 : memref<64x128xf32, #tpu.memory_space<vmem>>) dst(%dma_wait3A_54 : memref<64x128xf32, #tpu.memory_space<hbm>>)
        tpu.yield
      }) : () -> ()
    }
    %scan3A_31 = arith.constant 10 : i32
    return
  }
}

#map = affine_map<(d0, d1) -> (0)>
module attributes {stable_mosaic.version = 14 : i64} {
  func.func @k(%arg0: i32, %arg1: i32, %arg2: memref<320000xi32, #tpu.memory_space<hbm>>, %arg3: memref<10240xf32, #tpu.memory_space<hbm>>, %arg4: memref<327680xf32, #tpu.memory_space<hbm>>, %arg5: memref<80xi32, #tpu.memory_space<vmem>>, %arg6: memref<10240xf32, #tpu.memory_space<vmem>>) attributes {dimension_semantics = [#tpu.dimension_semantics<core_parallel>, #tpu.dimension_semantics<subcore_parallel>], iteration_bounds = array<i64: 2, 16>, scalar_prefetch = 0 : i64, scratch_operands = 2 : i64, tpu.core_type = #tpu.core_type<sc_vector_subcore>, window_params = [{transform_indices = #map}, {transform_indices = #map}, {transform_indices = #map}]} {
    %mul3A = arith.constant 2 : i32
    %mul3A_0 = arith.muli %arg1, %mul3A : i32
    %add3A = arith.addi %mul3A_0, %arg0 : i32
    %mul3A_1 = arith.constant 10000 : i32
    %mul3A_2 = arith.muli %add3A, %mul3A_1 : i32
    %broadcast_in_dim3A = arith.constant 1.000000e+00 : f32
    %broadcast_in_dim3A_3 = vector.broadcast %broadcast_in_dim3A : f32 to vector<16xf32>
    "tpu.region"() ({
      %run_scoped3A = tpu.sem_alloc : memref<!tpu.dma_semaphore, #tpu.memory_space<semaphore_mem>>
      tpu.enqueue_dma source(%arg3 : memref<10240xf32, #tpu.memory_space<hbm>>) target(%arg6 : memref<10240xf32, #tpu.memory_space<vmem>>) target_semaphore(%run_scoped3A : memref<!tpu.dma_semaphore, #tpu.memory_space<semaphore_mem>>)
      tpu.wait_dma2 semaphore(%run_scoped3A : memref<!tpu.dma_semaphore, #tpu.memory_space<semaphore_mem>>) src(%arg3 : memref<10240xf32, #tpu.memory_space<hbm>>) dst(%arg6 : memref<10240xf32, #tpu.memory_space<vmem>>)
      tpu.yield
    }) : () -> ()
    %scan3A = arith.constant 0 : i32
    %scan3A_4 = arith.constant 125 : i32
    %scan3A_5 = arith.addi %scan3A, %scan3A_4 : i32
    %scan3A_6 = arith.constant 1 : i32
    scf.for %scan3A_10 = %scan3A to %scan3A_5 step %scan3A_6  : i32 {
      %mul3A_11 = arith.constant 1 : i32
      %mul3A_12 = arith.muli %scan3A_10, %mul3A_11 : i32
      %add3A_13 = arith.constant 0 : i32
      %add3A_14 = arith.addi %add3A_13, %mul3A_12 : i32
      %mul3A_15 = arith.constant 80 : i32
      %mul3A_16 = arith.muli %add3A_14, %mul3A_15 : i32
      %add3A_17 = arith.addi %mul3A_2, %mul3A_16 : i32
      "tpu.region"() ({
        %run_scoped3A = tpu.sem_alloc : memref<!tpu.dma_semaphore, #tpu.memory_space<semaphore_mem>>
        %dma_start3A = tpu.memref_slice %arg2[%add3A_17] : memref<320000xi32, #tpu.memory_space<hbm>> -> memref<80xi32, #tpu.memory_space<hbm>>
        %dma_start3A_23 = tpu.memref_slice %arg2[%add3A_17] : memref<320000xi32, #tpu.memory_space<hbm>> -> memref<80xi32, #tpu.memory_space<hbm>>
        tpu.enqueue_dma source(%dma_start3A_23 : memref<80xi32, #tpu.memory_space<hbm>>) target(%arg5 : memref<80xi32, #tpu.memory_space<vmem>>) target_semaphore(%run_scoped3A : memref<!tpu.dma_semaphore, #tpu.memory_space<semaphore_mem>>)
        %dma_wait3A = tpu.memref_slice %arg2[%add3A_17] : memref<320000xi32, #tpu.memory_space<hbm>> -> memref<80xi32, #tpu.memory_space<hbm>>
        %dma_wait3A_24 = tpu.memref_slice %arg2[%add3A_17] : memref<320000xi32, #tpu.memory_space<hbm>> -> memref<80xi32, #tpu.memory_space<hbm>>
        tpu.wait_dma2 semaphore(%run_scoped3A : memref<!tpu.dma_semaphore, #tpu.memory_space<semaphore_mem>>) src(%dma_wait3A_24 : memref<80xi32, #tpu.memory_space<hbm>>) dst(%arg5 : memref<80xi32, #tpu.memory_space<vmem>>)
        tpu.yield
      }) : () -> ()
      %scan3A_18 = arith.constant 0 : i32
      %scan3A_19 = arith.constant 5 : i32
      %scan3A_20 = arith.addi %scan3A_18, %scan3A_19 : i32
      %scan3A_21 = arith.constant 1 : i32
      scf.for %scan3A_23 = %scan3A_18 to %scan3A_20 step %scan3A_21  : i32 {
        %mul3A_24 = arith.constant 1 : i32
        %mul3A_25 = arith.muli %scan3A_23, %mul3A_24 : i32
        %add3A_26 = arith.constant 0 : i32
        %add3A_27 = arith.addi %add3A_26, %mul3A_25 : i32
        %mul3A_28 = arith.constant 16 : i32
        %mul3A_29 = arith.muli %add3A_27, %mul3A_28 : i32
        %get3A = arith.index_cast %mul3A_29 : i32 to index
        %get3A_30 = tpu.vector_load %arg5[%get3A] {strides = array<i32>} : memref<80xi32, #tpu.memory_space<vmem>>, vector<16xi32>,
        tpu.vector_store_idx %arg6[%get3A_30], %broadcast_in_dim3A_3 {add = true} : memref<10240xf32, #tpu.memory_space<vmem>>[vector<16xi32>], vector<16xf32>,
      }
      %scan3A_22 = arith.constant 5 : i32
    }
    %scan3A_7 = arith.constant 125 : i32
    %mul3A_8 = arith.constant 10240 : i32
    %mul3A_9 = arith.muli %add3A, %mul3A_8 : i32
    "tpu.region"() ({
      %run_scoped3A = tpu.sem_alloc : memref<!tpu.dma_semaphore, #tpu.memory_space<semaphore_mem>>
      %dma_start3A = tpu.memref_slice %arg4[%mul3A_9] : memref<327680xf32, #tpu.memory_space<hbm>> -> memref<10240xf32, #tpu.memory_space<hbm>>
      %dma_start3A_10 = tpu.memref_slice %arg4[%mul3A_9] : memref<327680xf32, #tpu.memory_space<hbm>> -> memref<10240xf32, #tpu.memory_space<hbm>>
      tpu.enqueue_dma source(%arg6 : memref<10240xf32, #tpu.memory_space<vmem>>) target(%dma_start3A_10 : memref<10240xf32, #tpu.memory_space<hbm>>) target_semaphore(%run_scoped3A : memref<!tpu.dma_semaphore, #tpu.memory_space<semaphore_mem>>)
      %dma_wait3A = tpu.memref_slice %arg4[%mul3A_9] : memref<327680xf32, #tpu.memory_space<hbm>> -> memref<10240xf32, #tpu.memory_space<hbm>>
      %dma_wait3A_11 = tpu.memref_slice %arg4[%mul3A_9] : memref<327680xf32, #tpu.memory_space<hbm>> -> memref<10240xf32, #tpu.memory_space<hbm>>
      tpu.wait_dma2 semaphore(%run_scoped3A : memref<!tpu.dma_semaphore, #tpu.memory_space<semaphore_mem>>) src(%arg6 : memref<10240xf32, #tpu.memory_space<vmem>>) dst(%dma_wait3A_11 : memref<10240xf32, #tpu.memory_space<hbm>>)
      tpu.yield
    }) : () -> ()
    return
  }
}

module attributes {stable_mosaic.version = 14 : i64} {
  func.func @_tables_body(%arg0: i32, %arg1: memref<2000x128xf32, #tpu.memory_space<vmem>>, %arg2: memref<128x128xf32, #tpu.memory_space<vmem>>, %arg3: memref<128x128xf32, #tpu.memory_space<vmem>>, %arg4: memref<1x128xf32, #tpu.memory_space<vmem>>, %arg5: memref<2000x128xf32, #tpu.memory_space<vmem>>, %arg6: memref<2000x128xf32, #tpu.memory_space<vmem>>) attributes {dimension_semantics = [#tpu.dimension_semantics<arbitrary>], iteration_bounds = array<i64: 5>, scalar_prefetch = 0 : i64, scratch_operands = 0 : i64, tpu.core_type = #tpu.core_type<tc>, window_params = [{transform_indices = @transform_0, window_bounds = array<i64: 2000, 128>}, {pipeline_mode = #tpu.pipeline_mode<synchronous>, transform_indices = @transform_1, window_bounds = array<i64: 128, 128>}, {pipeline_mode = #tpu.pipeline_mode<synchronous>, transform_indices = @transform_2, window_bounds = array<i64: 128, 128>}, {pipeline_mode = #tpu.pipeline_mode<synchronous>, transform_indices = @transform_3, window_bounds = array<i64: 1, 128>}, {transform_indices = @transform_4, window_bounds = array<i64: 2000, 128>}, {transform_indices = @transform_5, window_bounds = array<i64: 2000, 128>}]} {
    %get3A = arith.constant 0 : index
    %get3A_0 = arith.constant 0 : index
    %get3A_1 = vector.load %arg1[%get3A, %get3A_0] : memref<2000x128xf32, #tpu.memory_space<vmem>>, vector<2000x128xf32>
    %get3A_2 = arith.constant 0 : index
    %get3A_3 = arith.constant 0 : index
    %get3A_4 = vector.load %arg2[%get3A_2, %get3A_3] : memref<128x128xf32, #tpu.memory_space<vmem>>, vector<128x128xf32>
    %dot_general3A = arith.constant dense<0.000000e+00> : vector<2000x128xf32>
    %dot_general3A_5 = tpu.matmul %get3A_1, %get3A_4, %dot_general3A {dimension_numbers = #tpu.dot_dimension_numbers<[1], [0], [0], [1], [0, 0, 1, 1], [], []>, transpose_lhs_hint = false} : vector<2000x128xf32>, vector<128x128xf32>, vector<2000x128xf32> -> vector<2000x128xf32>
    %swap3A = arith.constant 0 : index
    %swap3A_6 = arith.constant 0 : index
    %swap3A_7 = vector.load %arg5[%swap3A, %swap3A_6] : memref<2000x128xf32, #tpu.memory_space<vmem>>, vector<2000x128xf32>
    tpu.vector_store %arg5[%swap3A, %swap3A_6], %dot_general3A_5 {strides = array<i32>} : memref<2000x128xf32, #tpu.memory_space<vmem>>, vector<2000x128xf32>,
    %get3A_8 = arith.constant 0 : index
    %get3A_9 = arith.constant 0 : index
    %get3A_10 = vector.load %arg3[%get3A_8, %get3A_9] : memref<128x128xf32, #tpu.memory_space<vmem>>, vector<128x128xf32>
    %dot_general3A_11 = arith.constant dense<0.000000e+00> : vector<2000x128xf32>
    %dot_general3A_12 = tpu.matmul %get3A_1, %get3A_10, %dot_general3A_11 {dimension_numbers = #tpu.dot_dimension_numbers<[1], [0], [0], [1], [0, 0, 1, 1], [], []>, transpose_lhs_hint = false} : vector<2000x128xf32>, vector<128x128xf32>, vector<2000x128xf32> -> vector<2000x128xf32>
    %get3A_13 = arith.constant 0 : index
    %get3A_14 = arith.constant 0 : index
    %get3A_15 = vector.load %arg4[%get3A_13, %get3A_14] : memref<1x128xf32, #tpu.memory_space<vmem>>, vector<1x128xf32>
    %add3A = vector.broadcast %get3A_15 : vector<1x128xf32> to vector<2000x128xf32>
    %add3A_16 = arith.addf %dot_general3A_12, %add3A : vector<2000x128xf32>
    %swap3A_17 = arith.constant 0 : index
    %swap3A_18 = arith.constant 0 : index
    %swap3A_19 = vector.load %arg6[%swap3A_17, %swap3A_18] : memref<2000x128xf32, #tpu.memory_space<vmem>>, vector<2000x128xf32>
    tpu.vector_store %arg6[%swap3A_17, %swap3A_18], %add3A_16 {strides = array<i32>} : memref<2000x128xf32, #tpu.memory_space<vmem>>, vector<2000x128xf32>,
    return
  }
  func.func @transform_0(%arg0: i32) -> (i32, i32) {
    %c0_i32 = arith.constant 0 : i32
    %c0_i32_0 = arith.constant 0 : i32
    return %arg0, %c0_i32 : i32, i32
  }
  func.func @transform_1(%arg0: i32) -> (i32, i32) {
    %c0_i32 = arith.constant 0 : i32
    %c0_i32_0 = arith.constant 0 : i32
    %c0_i32_1 = arith.constant 0 : i32
    return %c0_i32, %c0_i32_0 : i32, i32
  }
  func.func @transform_2(%arg0: i32) -> (i32, i32) {
    %c0_i32 = arith.constant 0 : i32
    %c0_i32_0 = arith.constant 0 : i32
    %c0_i32_1 = arith.constant 0 : i32
    return %c0_i32, %c0_i32_0 : i32, i32
  }
  func.func @transform_3(%arg0: i32) -> (i32, i32) {
    %c0_i32 = arith.constant 0 : i32
    %c0_i32_0 = arith.constant 0 : i32
    %c0_i32_1 = arith.constant 0 : i32
    return %c0_i32, %c0_i32_0 : i32, i32
  }
  func.func @transform_4(%arg0: i32) -> (i32, i32) {
    %c0_i32 = arith.constant 0 : i32
    %c0_i32_0 = arith.constant 0 : i32
    return %arg0, %c0_i32 : i32, i32
  }
  func.func @transform_5(%arg0: i32) -> (i32, i32) {
    %c0_i32 = arith.constant 0 : i32
    %c0_i32_0 = arith.constant 0 : i32
    return %arg0, %c0_i32 : i32, i32
  }
}

module attributes {stable_mosaic.version = 14 : i64} {
  func.func @_edge_body(%arg0: i32, %arg1: memref<4000x128xf32, #tpu.memory_space<vmem>>, %arg2: memref<4000x128xf32, #tpu.memory_space<vmem>>, %arg3: memref<128x128xf32, #tpu.memory_space<vmem>>, %arg4: memref<128x128xf32, #tpu.memory_space<vmem>>, %arg5: memref<1x128xf32, #tpu.memory_space<vmem>>, %arg6: memref<4000x128xf32, #tpu.memory_space<vmem>>) attributes {dimension_semantics = [#tpu.dimension_semantics<arbitrary>], iteration_bounds = array<i64: 80>, scalar_prefetch = 0 : i64, scratch_operands = 0 : i64, tpu.core_type = #tpu.core_type<tc>, window_params = [{transform_indices = @transform_0, window_bounds = array<i64: 4000, 128>}, {transform_indices = @transform_1, window_bounds = array<i64: 4000, 128>}, {pipeline_mode = #tpu.pipeline_mode<synchronous>, transform_indices = @transform_2, window_bounds = array<i64: 128, 128>}, {pipeline_mode = #tpu.pipeline_mode<synchronous>, transform_indices = @transform_3, window_bounds = array<i64: 128, 128>}, {pipeline_mode = #tpu.pipeline_mode<synchronous>, transform_indices = @transform_4, window_bounds = array<i64: 1, 128>}, {transform_indices = @transform_5, window_bounds = array<i64: 4000, 128>}]} {
    %get3A = arith.constant 0 : index
    %get3A_0 = arith.constant 0 : index
    %get3A_1 = vector.load %arg2[%get3A, %get3A_0] : memref<4000x128xf32, #tpu.memory_space<vmem>>, vector<4000x128xf32>
    %get3A_2 = arith.constant 0 : index
    %get3A_3 = arith.constant 0 : index
    %get3A_4 = vector.load %arg1[%get3A_2, %get3A_3] : memref<4000x128xf32, #tpu.memory_space<vmem>>, vector<4000x128xf32>
    %get3A_5 = arith.constant 0 : index
    %get3A_6 = arith.constant 0 : index
    %get3A_7 = vector.load %arg3[%get3A_5, %get3A_6] : memref<128x128xf32, #tpu.memory_space<vmem>>, vector<128x128xf32>
    %dot_general3A = arith.constant dense<0.000000e+00> : vector<4000x128xf32>
    %dot_general3A_8 = tpu.matmul %get3A_1, %get3A_7, %dot_general3A {dimension_numbers = #tpu.dot_dimension_numbers<[1], [0], [0], [1], [0, 0, 1, 1], [], []>, transpose_lhs_hint = false} : vector<4000x128xf32>, vector<128x128xf32>, vector<4000x128xf32> -> vector<4000x128xf32>
    %add3A = arith.addf %get3A_4, %dot_general3A_8 : vector<4000x128xf32>
    %logistic3A = arith.negf %add3A : vector<4000x128xf32>
    %logistic3A_9 = math.exp %logistic3A : vector<4000x128xf32>
    %logistic3A_10 = arith.constant 1.000000e+00 : f32
    %logistic3A_11 = vector.broadcast %logistic3A_10 : f32 to vector<4000x128xf32>
    %logistic3A_12 = arith.addf %logistic3A_11, %logistic3A_9 : vector<4000x128xf32>
    %logistic3A_13 = arith.divf %logistic3A_11, %logistic3A_12 : vector<4000x128xf32>
    %mul3A = arith.mulf %add3A, %logistic3A_13 : vector<4000x128xf32>
    %get3A_14 = arith.constant 0 : index
    %get3A_15 = arith.constant 0 : index
    %get3A_16 = vector.load %arg4[%get3A_14, %get3A_15] : memref<128x128xf32, #tpu.memory_space<vmem>>, vector<128x128xf32>
    %dot_general3A_17 = arith.constant dense<0.000000e+00> : vector<4000x128xf32>
    %dot_general3A_18 = tpu.matmul %mul3A, %get3A_16, %dot_general3A_17 {dimension_numbers = #tpu.dot_dimension_numbers<[1], [0], [0], [1], [0, 0, 1, 1], [], []>, transpose_lhs_hint = false} : vector<4000x128xf32>, vector<128x128xf32>, vector<4000x128xf32> -> vector<4000x128xf32>
    %get3A_19 = arith.constant 0 : index
    %get3A_20 = arith.constant 0 : index
    %get3A_21 = vector.load %arg5[%get3A_19, %get3A_20] : memref<1x128xf32, #tpu.memory_space<vmem>>, vector<1x128xf32>
    %add3A_22 = vector.broadcast %get3A_21 : vector<1x128xf32> to vector<4000x128xf32>
    %add3A_23 = arith.addf %dot_general3A_18, %add3A_22 : vector<4000x128xf32>
    %add3A_24 = arith.addf %add3A_23, %get3A_1 : vector<4000x128xf32>
    %logistic3A_25 = arith.negf %add3A_24 : vector<4000x128xf32>
    %logistic3A_26 = math.exp %logistic3A_25 : vector<4000x128xf32>
    %logistic3A_27 = arith.constant 1.000000e+00 : f32
    %logistic3A_28 = vector.broadcast %logistic3A_27 : f32 to vector<4000x128xf32>
    %logistic3A_29 = arith.addf %logistic3A_28, %logistic3A_26 : vector<4000x128xf32>
    %logistic3A_30 = arith.divf %logistic3A_28, %logistic3A_29 : vector<4000x128xf32>
    %mul3A_31 = arith.mulf %add3A_24, %logistic3A_30 : vector<4000x128xf32>
    %swap3A = arith.constant 0 : index
    %swap3A_32 = arith.constant 0 : index
    %swap3A_33 = vector.load %arg6[%swap3A, %swap3A_32] : memref<4000x128xf32, #tpu.memory_space<vmem>>, vector<4000x128xf32>
    tpu.vector_store %arg6[%swap3A, %swap3A_32], %mul3A_31 {strides = array<i32>} : memref<4000x128xf32, #tpu.memory_space<vmem>>, vector<4000x128xf32>,
    return
  }
  func.func @transform_0(%arg0: i32) -> (i32, i32) {
    %c0_i32 = arith.constant 0 : i32
    %c0_i32_0 = arith.constant 0 : i32
    return %arg0, %c0_i32 : i32, i32
  }
  func.func @transform_1(%arg0: i32) -> (i32, i32) {
    %c0_i32 = arith.constant 0 : i32
    %c0_i32_0 = arith.constant 0 : i32
    return %arg0, %c0_i32 : i32, i32
  }
  func.func @transform_2(%arg0: i32) -> (i32, i32) {
    %c0_i32 = arith.constant 0 : i32
    %c0_i32_0 = arith.constant 0 : i32
    %c0_i32_1 = arith.constant 0 : i32
    return %c0_i32, %c0_i32_0 : i32, i32
  }
  func.func @transform_3(%arg0: i32) -> (i32, i32) {
    %c0_i32 = arith.constant 0 : i32
    %c0_i32_0 = arith.constant 0 : i32
    %c0_i32_1 = arith.constant 0 : i32
    return %c0_i32, %c0_i32_0 : i32, i32
  }
  func.func @transform_4(%arg0: i32) -> (i32, i32) {
    %c0_i32 = arith.constant 0 : i32
    %c0_i32_0 = arith.constant 0 : i32
    %c0_i32_1 = arith.constant 0 : i32
    return %c0_i32, %c0_i32_0 : i32, i32
  }
  func.func @transform_5(%arg0: i32) -> (i32, i32) {
    %c0_i32 = arith.constant 0 : i32
    %c0_i32_0 = arith.constant 0 : i32
    return %arg0, %c0_i32 : i32, i32
  }
}

module attributes {stable_mosaic.version = 14 : i64} {
  func.func @_node_body(%arg0: i32, %arg1: memref<2000x128xf32, #tpu.memory_space<vmem>>, %arg2: memref<2x2000x128xf32, #tpu.memory_space<vmem>>, %arg3: memref<2000x32xf32, #tpu.memory_space<vmem>>, %arg4: memref<128x128xf32, #tpu.memory_space<vmem>>, %arg5: memref<128x128xf32, #tpu.memory_space<vmem>>, %arg6: memref<1x128xf32, #tpu.memory_space<vmem>>, %arg7: memref<128x128xf32, #tpu.memory_space<vmem>>, %arg8: memref<1x128xf32, #tpu.memory_space<vmem>>, %arg9: memref<2000x128xf32, #tpu.memory_space<vmem>>) attributes {dimension_semantics = [#tpu.dimension_semantics<arbitrary>], iteration_bounds = array<i64: 5>, scalar_prefetch = 0 : i64, scratch_operands = 0 : i64, tpu.core_type = #tpu.core_type<tc>, window_params = [{transform_indices = @transform_0, window_bounds = array<i64: 2000, 128>}, {transform_indices = @transform_1, window_bounds = array<i64: 2, 2000, 128>}, {transform_indices = @transform_2, window_bounds = array<i64: 2000, 32>}, {pipeline_mode = #tpu.pipeline_mode<synchronous>, transform_indices = @transform_3, window_bounds = array<i64: 128, 128>}, {pipeline_mode = #tpu.pipeline_mode<synchronous>, transform_indices = @transform_4, window_bounds = array<i64: 128, 128>}, {pipeline_mode = #tpu.pipeline_mode<synchronous>, transform_indices = @transform_5, window_bounds = array<i64: 1, 128>}, {pipeline_mode = #tpu.pipeline_mode<synchronous>, transform_indices = @transform_6, window_bounds = array<i64: 128, 128>}, {pipeline_mode = #tpu.pipeline_mode<synchronous>, transform_indices = @transform_7, window_bounds = array<i64: 1, 128>}, {transform_indices = @transform_8, window_bounds = array<i64: 2000, 128>}]} {
    %get3A = arith.constant 0 : index
    %get3A_0 = arith.constant 0 : index
    %get3A_1 = vector.load %arg1[%get3A, %get3A_0] : memref<2000x128xf32, #tpu.memory_space<vmem>>, vector<2000x128xf32>
    %get3A_2 = arith.constant 0 : index
    %get3A_3 = arith.constant 0 : index
    %get3A_4 = arith.constant 0 : index
    %get3A_5 = vector.load %arg2[%get3A_2, %get3A_3, %get3A_4] : memref<2x2000x128xf32, #tpu.memory_space<vmem>>, vector<1x2000x128xf32>
    %get3A_6 = vector.shape_cast %get3A_5 : vector<1x2000x128xf32> to vector<2000x128xf32>
    %get3A_7 = arith.constant 1 : index
    %get3A_8 = arith.constant 0 : index
    %get3A_9 = arith.constant 0 : index
    %get3A_10 = vector.load %arg2[%get3A_7, %get3A_8, %get3A_9] : memref<2x2000x128xf32, #tpu.memory_space<vmem>>, vector<1x2000x128xf32>
    %get3A_11 = vector.shape_cast %get3A_10 : vector<1x2000x128xf32> to vector<2000x128xf32>
    %add3A = arith.addf %get3A_6, %get3A_11 : vector<2000x128xf32>
    %get3A_12 = arith.constant 0 : index
    %get3A_13 = arith.constant 0 : index
    %get3A_14 = vector.load %arg3[%get3A_12, %get3A_13] : memref<2000x32xf32, #tpu.memory_space<vmem>>, vector<2000x32xf32>
    %reduce_sum3A = arith.constant dense<0.000000e+00> : vector<2000xf32>
    %reduce_sum3A_15 = vector.multi_reduction <add>, %get3A_14, %reduce_sum3A [1] : vector<2000x32xf32> to vector<2000xf32>
    %max3A = arith.constant 1.000000e+00 : f32
    %max3A_16 = vector.broadcast %max3A : f32 to vector<2000xf32>
    %max3A_17 = arith.maximumf %reduce_sum3A_15, %max3A_16 : vector<2000xf32>
    %broadcast_in_dim3A = vector.shape_cast %max3A_17 : vector<2000xf32> to vector<2000x1xf32>
    %div3A = vector.broadcast %broadcast_in_dim3A : vector<2000x1xf32> to vector<2000x128xf32>
    %div3A_18 = arith.divf %add3A, %div3A : vector<2000x128xf32>
    %get3A_19 = arith.constant 0 : index
    %get3A_20 = arith.constant 0 : index
    %get3A_21 = vector.load %arg4[%get3A_19, %get3A_20] : memref<128x128xf32, #tpu.memory_space<vmem>>, vector<128x128xf32>
    %dot_general3A = arith.constant dense<0.000000e+00> : vector<2000x128xf32>
    %dot_general3A_22 = tpu.matmul %get3A_1, %get3A_21, %dot_general3A {dimension_numbers = #tpu.dot_dimension_numbers<[1], [0], [0], [1], [0, 0, 1, 1], [], []>, transpose_lhs_hint = false} : vector<2000x128xf32>, vector<128x128xf32>, vector<2000x128xf32> -> vector<2000x128xf32>
    %get3A_23 = arith.constant 0 : index
    %get3A_24 = arith.constant 0 : index
    %get3A_25 = vector.load %arg5[%get3A_23, %get3A_24] : memref<128x128xf32, #tpu.memory_space<vmem>>, vector<128x128xf32>
    %dot_general3A_26 = arith.constant dense<0.000000e+00> : vector<2000x128xf32>
    %dot_general3A_27 = tpu.matmul %div3A_18, %get3A_25, %dot_general3A_26 {dimension_numbers = #tpu.dot_dimension_numbers<[1], [0], [0], [1], [0, 0, 1, 1], [], []>, transpose_lhs_hint = false} : vector<2000x128xf32>, vector<128x128xf32>, vector<2000x128xf32> -> vector<2000x128xf32>
    %add3A_28 = arith.addf %dot_general3A_22, %dot_general3A_27 : vector<2000x128xf32>
    %get3A_29 = arith.constant 0 : index
    %get3A_30 = arith.constant 0 : index
    %get3A_31 = vector.load %arg6[%get3A_29, %get3A_30] : memref<1x128xf32, #tpu.memory_space<vmem>>, vector<1x128xf32>
    %add3A_32 = vector.broadcast %get3A_31 : vector<1x128xf32> to vector<2000x128xf32>
    %add3A_33 = arith.addf %add3A_28, %add3A_32 : vector<2000x128xf32>
    %logistic3A = arith.negf %add3A_33 : vector<2000x128xf32>
    %logistic3A_34 = math.exp %logistic3A : vector<2000x128xf32>
    %logistic3A_35 = arith.constant 1.000000e+00 : f32
    %logistic3A_36 = vector.broadcast %logistic3A_35 : f32 to vector<2000x128xf32>
    %logistic3A_37 = arith.addf %logistic3A_36, %logistic3A_34 : vector<2000x128xf32>
    %logistic3A_38 = arith.divf %logistic3A_36, %logistic3A_37 : vector<2000x128xf32>
    %mul3A = arith.mulf %add3A_33, %logistic3A_38 : vector<2000x128xf32>
    %get3A_39 = arith.constant 0 : index
    %get3A_40 = arith.constant 0 : index
    %get3A_41 = vector.load %arg7[%get3A_39, %get3A_40] : memref<128x128xf32, #tpu.memory_space<vmem>>, vector<128x128xf32>
    %dot_general3A_42 = arith.constant dense<0.000000e+00> : vector<2000x128xf32>
    %dot_general3A_43 = tpu.matmul %mul3A, %get3A_41, %dot_general3A_42 {dimension_numbers = #tpu.dot_dimension_numbers<[1], [0], [0], [1], [0, 0, 1, 1], [], []>, transpose_lhs_hint = false} : vector<2000x128xf32>, vector<128x128xf32>, vector<2000x128xf32> -> vector<2000x128xf32>
    %get3A_44 = arith.constant 0 : index
    %get3A_45 = arith.constant 0 : index
    %get3A_46 = vector.load %arg8[%get3A_44, %get3A_45] : memref<1x128xf32, #tpu.memory_space<vmem>>, vector<1x128xf32>
    %add3A_47 = vector.broadcast %get3A_46 : vector<1x128xf32> to vector<2000x128xf32>
    %add3A_48 = arith.addf %dot_general3A_43, %add3A_47 : vector<2000x128xf32>
    %add3A_49 = arith.addf %add3A_48, %get3A_1 : vector<2000x128xf32>
    %logistic3A_50 = arith.negf %add3A_49 : vector<2000x128xf32>
    %logistic3A_51 = math.exp %logistic3A_50 : vector<2000x128xf32>
    %logistic3A_52 = arith.constant 1.000000e+00 : f32
    %logistic3A_53 = vector.broadcast %logistic3A_52 : f32 to vector<2000x128xf32>
    %logistic3A_54 = arith.addf %logistic3A_53, %logistic3A_51 : vector<2000x128xf32>
    %logistic3A_55 = arith.divf %logistic3A_53, %logistic3A_54 : vector<2000x128xf32>
    %mul3A_56 = arith.mulf %add3A_49, %logistic3A_55 : vector<2000x128xf32>
    %swap3A = arith.constant 0 : index
    %swap3A_57 = arith.constant 0 : index
    %swap3A_58 = vector.load %arg9[%swap3A, %swap3A_57] : memref<2000x128xf32, #tpu.memory_space<vmem>>, vector<2000x128xf32>
    tpu.vector_store %arg9[%swap3A, %swap3A_57], %mul3A_56 {strides = array<i32>} : memref<2000x128xf32, #tpu.memory_space<vmem>>, vector<2000x128xf32>,
    return
  }
  func.func @transform_0(%arg0: i32) -> (i32, i32) {
    %c0_i32 = arith.constant 0 : i32
    %c0_i32_0 = arith.constant 0 : i32
    return %arg0, %c0_i32 : i32, i32
  }
  func.func @transform_1(%arg0: i32) -> (i32, i32, i32) {
    %c0_i32 = arith.constant 0 : i32
    %c0_i32_0 = arith.constant 0 : i32
    %c0_i32_1 = arith.constant 0 : i32
    return %c0_i32, %arg0, %c0_i32_0 : i32, i32, i32
  }
  func.func @transform_2(%arg0: i32) -> (i32, i32) {
    %c0_i32 = arith.constant 0 : i32
    %c0_i32_0 = arith.constant 0 : i32
    return %arg0, %c0_i32 : i32, i32
  }
  func.func @transform_3(%arg0: i32) -> (i32, i32) {
    %c0_i32 = arith.constant 0 : i32
    %c0_i32_0 = arith.constant 0 : i32
    %c0_i32_1 = arith.constant 0 : i32
    return %c0_i32, %c0_i32_0 : i32, i32
  }
  func.func @transform_4(%arg0: i32) -> (i32, i32) {
    %c0_i32 = arith.constant 0 : i32
    %c0_i32_0 = arith.constant 0 : i32
    %c0_i32_1 = arith.constant 0 : i32
    return %c0_i32, %c0_i32_0 : i32, i32
  }
  func.func @transform_5(%arg0: i32) -> (i32, i32) {
    %c0_i32 = arith.constant 0 : i32
    %c0_i32_0 = arith.constant 0 : i32
    %c0_i32_1 = arith.constant 0 : i32
    return %c0_i32, %c0_i32_0 : i32, i32
  }
  func.func @transform_6(%arg0: i32) -> (i32, i32) {
    %c0_i32 = arith.constant 0 : i32
    %c0_i32_0 = arith.constant 0 : i32
    %c0_i32_1 = arith.constant 0 : i32
    return %c0_i32, %c0_i32_0 : i32, i32
  }
  func.func @transform_7(%arg0: i32) -> (i32, i32) {
    %c0_i32 = arith.constant 0 : i32
    %c0_i32_0 = arith.constant 0 : i32
    %c0_i32_1 = arith.constant 0 : i32
    return %c0_i32, %c0_i32_0 : i32, i32
  }
  func.func @transform_8(%arg0: i32) -> (i32, i32) {
    %c0_i32 = arith.constant 0 : i32
    %c0_i32_0 = arith.constant 0 : i32
    return %arg0, %c0_i32 : i32, i32
  }
}

</mosaic_0001>

<sc_bundles>
// kernel: kernel.11.cloned.1.call-start
scs
__scs_entry_jumppad:
0x0: {  	(pc) =	sbr.rel $0x88, $3  }
0x1: {  	(tag) =	ssettag $0x0;
	lr =	simm.s32 $0x1  }
0x2: {  	[smem:$0x3F86] =	sst lr;
	_ =	strace $0xD0000000  }
0x3: {  	_ = 	snop  }
0x4: {  	_ = 	snop  }
0x5: {  	_ = 	snop  }
0x6: {  	_ = 	snop  }
0x7: {  	_ = 	snop  }
__scs_overlays_trampoline_lowered:
0x8: {  	[smem:$0x3F95] =	sst s0  }
0x9: {  	[smem:$0x3F96] =	sst s1  }
0xa: {  	[smem:$0x3F97] =	sst s2  }
0xb: {  	[smem:$0x3F98] =	sst s3  }
0xc: {  	[smem:$0x3F99] =	sst s4  }
0xd: {  	[smem:$0x3F9A] =	sst s5  }
0xe: {  	[smem:$0x3F9B] =	sst s6  }
0xf: {  	[smem:$0x3F9C] =	sst s7  }
0x10: {  	[smem:$0x3F9D] =	sst s8  }
0x11: {  	[smem:$0x3F9E] =	sst s9;
	s0 =	simm.s32 @!p0 $0x0  }
0x12: {  	s1 =	sld [smem:$0x3F84];
	s0 =	simm.s32 @p0 $0x1  }
0x13: {  	[smem:$0x3F9F] =	sst s0;
	s0 =	simm.s32 @!p1 $0x0  }
0x14: {  	s2 =	sld [smem:$0x3F83];
	s0 =	simm.s32 @p1 $0x1  }
0x15: {  	[smem:$0x3FA0] =	sst s0;
	s0 =	simm.s32 @!p2 $0x0  }
0x16: {  	s3 =	sld [smem:$0x3FDB];
	s0 =	simm.s32 @p2 $0x1  }
0x17: {  	s4 =	simm.s32 $0x1BF5;
	[smem:$0x3FA2] =	sst s0  }
0x18: {  	s0 =	sld [smem:$0x3F85];
	_ =	swait.ge [sflag:s4], $0x0  }
0x19: {  	s7 =	sld [smem:$0x3F86]  }
0x1a: {  	s8 =	sadd.s32 $0xFFFFE003, lr  }
0x1b: {  	s9 =	sadd.s32 $0xFFFFFEF7, lr;
	s5 =	simm.s32 $0xFFFFFFFF;
	p2 =	slt.u32 s8, $0xFFFFF086  }
0x1c: {  	p1 =	slt.u32 s9, $0xF7A;
	s5 =	simm.s32 @!p2 $0x0  }
0x1d: {  	s5 =	simm.s32 @p1 $0x1;
	p0 =	seq.s32 s7, s2  }
0x1e: {  	s7 =	smul.u32 @!p0 $0xF7A, s2;
	p2 =	seq.s32 @!p0 s5, $0x0  }
0x1f: {  	s9 =	smul.u32 $0xF7A, s1;
	s8 =	simm.s32 @!p0 $0x1BF5;
	p2 =	por !p2, p0  }
0x20: {  	[sflag:s8] =	ssyncset.s32 @!p0 $0xFFFFF086;
	s6 =	sadd.s32 @!p0 s3, s7;
	s7 =	simm.s32 @!p0 $0x108  }
0x21: {  	s3 =	sadd.s32 s3, s9;
	s6 =	sadd.s32 @!p0 $0x88, s6;
	s7 =	simm.s32 @p2 $0x1082  }
0x22: {  	[simem:s7], [sflag:s8] =	dma.local @!p0 [hbm:s6], $0xF7A  }
0x23: {  	s9 =	sor.u32 $0xD0000000, s2;
	s6 =	simm.s32 $0x108;
	_ =	swait.ge @!p0 [sflag:s8], $0x0  }
0x24: {  	s3 =	sadd.s32 $0x88, s3;
	s6 =	simm.s32 @!p1 $0x1082;
	[sflag:s4] =	ssyncset.s32 $0xFFFFF086  }
0x25: {  	[simem:s6], [sflag:s4] =	dma.local [hbm:s3], $0xF7A  }
0x26: {  	[smem:$0x3F86] =	sst s1;
	(tag) =	ssettag s2;
	_ =	strace s9  }
0x27: {  	s1 =	sld [smem:$0x3F96]  }
0x28: {  	s2 =	sld [smem:$0x3F97]  }
0x29: {  	s4 =	sld [smem:$0x3F99]  }
0x2a: {  	p0 =	seq.s32 s5, $0x0;
	s5 =	sld [smem:$0x3F9A]  }
0x2b: {  	s6 =	sld [smem:$0x3F9B]  }
0x2c: {  	s7 =	sld [smem:$0x3F9C]  }
0x2d: {  	s3 =	simm.s32 $0x108;
	s8 =	sld [smem:$0x3F9D]  }
0x2e: {  	s3 =	simm.s32 @!p0 $0x1082;
	s9 =	sld [smem:$0x3F9E]  }
0x2f: {  	lr =	sadd.s32 s0, s3;
	s0 =	sld [smem:$0x3F95]  }
0x30: {  	s3 =	sld [smem:$0x3F98]  }
0x31: {  	[smem:$0x3FA1] =	sst s10  }
0x32: {  	s10 =	sld [smem:$0x3F9F];
	_ =	sdelay $0x3  }
0x33: {  	p0 =	seq.s32 s10, $0x1;
	s10 =	sld [smem:$0x3FA1];
	_ =	sdelay $0x3  }
0x34: {  	[smem:$0x3FA1] =	sst s10  }
0x35: {  	s10 =	sld [smem:$0x3FA0];
	_ =	sdelay $0x3  }
0x36: {  	p1 =	seq.s32 s10, $0x1;
	s10 =	sld [smem:$0x3FA1];
	_ =	sdelay $0x3  }
0x37: {  	[smem:$0x3FA1] =	sst s10  }
0x38: {  	s10 =	sld [smem:$0x3FA2]  }
0x39: {  	_ = 	snop;
	(pc) =	sbr.ind lr, $3  }
0x3a: {  	_ = 	snop  }
0x3b: {  	_ = 	snop  }
0x3c: {  	p2 =	seq.s32 s10, $0x1;
	s10 =	sld [smem:$0x3FA1]  }
0x3d: {  	_ =	shalt  }
0x3e: {  	_ =	shalt  }
0x3f: {  	_ =	shalt  }
0x40: {  	_ =	shalt  }
0x41: {  	_ =	shalt  }
0x42: {  	_ =	shalt  }
0x43: {  	_ =	shalt  }
0x44: {  	_ =	shalt  }
0x45: {  	_ =	shalt  }
0x46: {  	_ =	shalt  }
0x47: {  	_ =	shalt  }
0x48: {  	_ =	shalt  }
0x49: {  	_ =	shalt  }
0x4a: {  	_ =	shalt  }
0x4b: {  	_ =	shalt  }
0x4c: {  	_ =	shalt  }
0x4d: {  	_ =	shalt  }
0x4e: {  	_ =	shalt  }
0x4f: {  	_ =	shalt  }
0x50: {  	_ =	shalt  }
0x51: {  	_ =	shalt  }
0x52: {  	_ =	shalt  }
0x53: {  	_ =	shalt  }
0x54: {  	_ =	shalt  }
0x55: {  	_ =	shalt  }
0x56: {  	_ =	shalt  }
0x57: {  	_ =	shalt  }
0x58: {  	_ =	shalt  }
0x59: {  	_ =	shalt  }
0x5a: {  	_ =	shalt  }
0x5b: {  	_ =	shalt  }
0x5c: {  	_ =	shalt  }
0x5d: {  	_ =	shalt  }
0x5e: {  	_ =	shalt  }
0x5f: {  	_ =	shalt  }
0x60: {  	_ =	shalt  }
0x61: {  	_ =	shalt  }
0x62: {  	_ =	shalt  }
0x63: {  	_ =	shalt  }
0x64: {  	_ =	shalt  }
0x65: {  	_ =	shalt  }
0x66: {  	_ =	shalt  }
0x67: {  	_ =	shalt  }
0x68: {  	_ =	shalt  }
0x69: {  	_ =	shalt  }
0x6a: {  	_ =	shalt  }
0x6b: {  	_ =	shalt  }
0x6c: {  	_ =	shalt  }
0x6d: {  	_ =	shalt  }
0x6e: {  	_ =	shalt  }
0x6f: {  	_ =	shalt  }
0x70: {  	_ =	shalt  }
0x71: {  	_ =	shalt  }
0x72: {  	_ =	shalt  }
0x73: {  	_ =	shalt  }
0x74: {  	_ =	shalt  }
0x75: {  	_ =	shalt  }
0x76: {  	_ =	shalt  }
0x77: {  	_ =	shalt  }
0x78: {  	_ =	shalt  }
0x79: {  	_ =	shalt  }
0x7a: {  	_ =	shalt  }
0x7b: {  	_ =	shalt  }
0x7c: {  	_ =	shalt  }
0x7d: {  	_ =	shalt  }
0x7e: {  	_ =	shalt  }
0x7f: {  	_ =	shalt  }
0x80: {  	_ =	shalt  }
0x81: {  	_ =	shalt  }
0x82: {  	_ =	shalt  }
0x83: {  	_ =	shalt  }
0x84: {  	_ =	shalt  }
0x85: {  	_ =	shalt  }
0x86: {  	_ =	shalt  }
0x87: {  	_ =	shalt  }
.Lfunc_end0:
.L_simem_size_0:
called_computation.1_lowered:
.L_overlay_start_0:
0x88: {  	s2 =	sld [smem:$0x3FD9]  }
0x89: {  	s3 =	sld [smem:$0x3FFE];
	_ =	sdelay $0x1  }
0x8a: {  	s1 =	srdreg.scid  }
0x8b: {  	s0 =	sand.u32 $0x1, s1  }
0x8c: {  	s17 =	sshll.u32 s0, $0xA;
	s2 =	sadd.s32 s3, s2  }
0x8d: {  	s2 =	sadd.s32 s2, s17  }
0x8e: {  	[smem:$0x3FAD] =	sst s2  }
0x8f: {  	_ = 	snop  }
0x90: {  	(tm) =	ssettm $0x1  }
0x91: {  	s18 =	sld [smem:$0x3FFB];
	_ =	sdelay $0x3  }
0x92: {  	_ =	strace s18  }
0x93: {  	s2 =	sld [smem:$0x3FFC];
	_ =	sdelay $0x3  }
0x94: {  	_ =	strace s2  }
0x95: {  	s2 =	sld [smem:$0x3FFD];
	_ =	sdelay $0x3  }
0x96: {  	_ =	strace s2  }
0x97: {  	_ =	strace $0x8FFFFFFF  }
0x98: {  	s19 =	sld [smem:$0x3FDB];
	_ =	sdelay $0x1  }
0x99: {  	s20 =	simm.s32 $_scs_section_size  }
0x9a: {  	s4 =	simm.s32 $_size__tile_overlayer_lowered;
	s5 =	simm.s32 $_tile_overlayer_lowered  }
0x9b: {  	s6 =	simm.s32 $0x1BFF;
	s21 =	sshll.u32 s5, $0x1;
	s3 =	sadd.s32 s20, s19  }
0x9c: {  	s22 =	simm.s32 $0x0;
	s4 =	sshll.u32 s4, $0x1;
	s5 =	sadd.s32 s21, s3  }
0x9d: {  	[timem:s22], [sflag:s6] =	dma.local [hbm:s5], s4  }
0x9e: {  	_ =	swait.ge [sflag:s6], s4  }
0x9f: {  	s4 =	ssub.s32 $0x0, s4;
	[sflag:s6] =	ssyncset.done $0x0  }
0xa0: {  	[sflag:s6] =	ssyncadd.s32 s4;
	_ =	sdelay $0x1  }
0xa1: {  	s23 =	simm.s32 $0x1B8B  }
0xa2: {  	_ =	swait.ge [sflag:s23], $0x1  }
0xa3: {  	[sflag:s23] =	ssyncset.done $0x0  }
0xa4: {  	[sflag:s23] =	ssyncadd.s32 $0xFFFFFFFF  }
0xa5: {  	s4 =	sld [smem:$0x0]  }
0xa6: {  	s5 =	sand.u32 $0xFFFFFFFE, s1  }
0xa7: {  	p0 =	sne.s32 s1, s5  }
0xa8: {  	s5 =	sshll.u32 @p0 s5, $0xE  }
0xa9: {  	s5 =	sadd.s32 @p0 $0x11B8D, s5;
	s6 =	sshll.u32 @p0 s4, $0x11  }
0xaa: {  	s5 =	sor.u32 @p0 s6, s5  }
0xab: {  	[sflag:s5] =	ssyncadd.remote.s32 @p0 $0x1;
	_ =	sdelay $0x1  }
0xac: {  	s5 =	simm.s32 @p0 $0x1B8D  }
0xad: {  	_ =	swait.eq @p0 [sflag:s5], $0x1  }
0xae: {  	[sflag:s5] =	ssyncadd.s32 @p0 $0xFFFFFFFF  }
0xaf: {  	s6 =	sshll.u32 @!p0 s1, $0xE  }
0xb0: {  	s6 =	sor.u32 @!p0 $0x4000, s6;
	s5 =	simm.s32 @!p0 $0x1B8D  }
0xb1: {  	s4 =	sshll.u32 @!p0 s4, $0x11;
	s6 =	sadd.s32 @!p0 $0x11B8D, s6;
	_ =	swait.eq @!p0 [sflag:s5], $0x1  }
0xb2: {  	s4 =	sor.u32 @!p0 s4, s6;
	[sflag:s5] =	ssyncadd.s32 @!p0 $0xFFFFFFFF  }
0xb3: {  	s25 =	simm.s32 $0x1B8E;
	s24 =	sld [smem:$0x3FFE];
	[sflag:s4] =	ssyncadd.remote.s32 @!p0 $0x1  }
0xb4: {  	s26 =	simm.s32 $execute0_lowered;
	[smem:$0x3FD2] =	sst s25  }
0xb5: {  	s5 =	sshll.u32 s26, $0x1;
	_ =	strace $0x80000049;
	[dreg:$0x1] =	wrdreg $0xFFFFFFFF  }
0xb6: {  	s28 =	simm.s32 $_size_execute0_lowered;
	s3 =	sadd.s32 s3, s5;
	[dreg:$0x0] =	wrdreg $0x0  }
0xb7: {  	s5 =	sshll.u32 s28, $0x1;
	[dreg:$0x2] =	wrdreg s3  }
0xb8: {  	[dreg:$0x3] =	wrdreg s5  }
0xb9: {  	[dreg:$0x4] =	wrdreg $0xC0  }
0xba: {  	_ =	task [dreg:s22], $0x5FFFF  }
0xbb: {  	[dreg:$0x1] =	wrdreg $0xFFFFFFFF  }
0xbc: {  	[dreg:$0x0] =	wrdreg $0x60  }
0xbd: {  	[dreg:$0x2] =	wrdreg s24  }
0xbe: {  	[dreg:$0x3] =	wrdreg $0x9  }
0xbf: {  	_ =	task.clear_ibuf [dreg:s22], $0x4FFFF;
	_ =	strace $0x90000049  }
0xc0: {  	s29 =	simm.s32 $0x9;
	_ =	strace $0x8000004B  }
0xc1: {  	_ =	swait.ge [sflag:s29], $0x1  }
0xc2: {  	[sflag:s29] =	ssyncadd.s32 $0xFFFFFFFF  }
0xc3: {  	_ =	strace $0x9000004B  }
0xc4: {  	_ =	sfence  }
0xc5: {  	s30 =	sld [smem:$0x0];
	_ =	sdelay $0x2  }
0xc6: {  	s31 =	sshll.u32 s1, $0xD;
	s1 =	sshrl.u32 s1, $0x2  }
0xc7: {  	s4 =	sand.u32 $0x4000, s31;
	s1 =	sadd.s32 s1, s30  }
0xc8: {  	s0 =	sor.u32 s4, s0;
	s1 =	sshll.u32 s1, $0x11  }
0xc9: {  	s0 =	sor.u32 s1, s0  }
0xca: {  	s0 =	sadd.s32 $0x8F2B, s0  }
0xcb: {  	[sflag:s0] =	ssyncadd.remote.s32 $0x1  }
0xcc: {  	_ =	sfence.sel $0xFFFF  }
0xcd: {  	[dreg:$0x0] =	wrdreg $0xFFFFFFFF;
	(pc) =	sbr.abs _section_cstart, $3  }
0xce: {  	[dreg:$0x1] =	wrdreg $0xFFFFFFFF  }
0xcf: {  	_ =	task.clear_ibuf [dreg:s22], $0x2FFFF;
	_ =	strace $0x9FFFFFFF  }
0xd0: {  	(tm) =	ssettm $0x7FFFFFFF  }
0xd1: {  	_ =	shalt  }
tec
execute0_lowered:
.L_overlay_start_1:
0x0: {  	(tag) =	ssettag $0x1  }
0x1: {  	s1 =	srdreg.scid  }
0x2: {  	s0 =	stileid.u32;
	s5 =	rddreg [dreg:$0x0]  }
0x3: {  	s2 =	simm.s32 $0x0;
	s3 =	sand.u32 $0x1, s1;
	s4 =	smul.u32 $0x4E20, s0  }
0x4: {  	s1 =	rddreg [dreg:$0x1];
	s7 =	sshll.u32 s0, $0x1;
	s6 =	smul.u32 $0x2710, s3  }
0x5: {  	s9 =	simm.s32 $0x0;
	[smem:$0x7FF] =	sst s2;
	s28 =	sor.u32 s3, s7  }
0x6: {  	s29 =	ssub.s32 $0x2, s3;
	s4 =	sadd.s32 s6, s4;
	s6 =	smul.u32 $0x500, s28  }
0x7: {  	_ =	strace $0x8000004A;
	s3 =	sadd.s32 $0x505E00, s5;
	s4 =	sshrl.u32 s4, $0x3  }
0x8: {  	s30 =	sshrl.u32 s29, $0x1;
	s8 =	sadd.s32 s4, s5;
	s5 =	sadd.s32 s6, s5  }
0x9: {  	s7 =	simm.s32 $0x80;
	s31 =	ssub.s32 s29, s30;
	s4 =	sadd.s32 $0x506400, s5  }
0xa: {  	v0 =	vimm.f32 $1.000000000e+00;
	s5 =	smax.u32 s31, $0x1;
	s6 =	sadd.s32 $0xF000, s8;
	s8 =	simm.s32 $0x1  }
.LBB2_1:
0xb: {  	[tilespmem:s7], [sflag:$0x1] =	stream.linear.gather [hbm4b:s3+s2], $0x2800, $0x38;
	[tilespmem:$0x2880] =	vst v63  }
0xc: {  	_ =	swait.ge [sflag:s8], $0x2800  }
0xd: {  	[sflag:s8] =	ssyncset.done $0x0  }
0xe: {  	s10 =	simm.s32 $0x0;
	[sflag:s8] =	ssyncadd.s32 $0xFFFFD800  }
.LBB2_2:
0xf: {  	s11 =	sadd.s32 s10, s6  }
0x10: {  	[tilespmem:s2], [sflag:$0x1] =	stream.linear.gather [hbm4b:s11+s2], $0x50, $0x38;
	[tilespmem:$0x2880] =	vst v63  }
0x11: {  	_ =	swait.ge [sflag:s8], $0x50  }
0x12: {  	[sflag:s8] =	ssyncset.done $0x0  }
0x13: {  	[sflag:s8] =	ssyncadd.s32 $0xFFFFFFB0  }
0x14: {  	v1 =	vld [tilespmem:$0x0];
	_ =	sdelay $0x7  }
0x15: {  	[tilespmem:v1+s7+$0x0] =	vst.idx.add.f32.msk $0xffff, v0  }
0x16: {  	v1 =	vld [tilespmem:$0x10];
	_ =	sdelay $0x7  }
0x17: {  	[tilespmem:v1+s7+$0x0] =	vst.idx.add.f32.msk $0xffff, v0  }
0x18: {  	v1 =	vld [tilespmem:$0x20];
	_ =	sdelay $0x7  }
0x19: {  	[tilespmem:v1+s7+$0x0] =	vst.idx.add.f32.msk $0xffff, v0  }
0x1a: {  	v1 =	vld [tilespmem:$0x30];
	_ =	sdelay $0x7  }
0x1b: {  	[tilespmem:v1+s7+$0x0] =	vst.idx.add.f32.msk $0xffff, v0  }
0x1c: {  	v1 =	vld [tilespmem:$0x40];
	_ =	sdelay $0x2  }
0x1d: {  	p0 =	sne.s32 s10, $0x4D8  }
.Ltmp0:
0x1e: {  	_ = 	snop;
	(pc) =	sbr.rel @p0 .LBB2_2-.Ltmp0, $2  }
0x1f: {  	_ =	sdelay $0x2  }
0x20: {  	s10 =	sadd.s32 $0xA, s10;
	[tilespmem:v1+s7+$0x0] =	vst.idx.add.f32.msk $0xffff, v0  }
0x21: {  	s9 =	sadd.s32 $0x1, s9  }
0x22: {  	p0 =	sne.s32 s9, s5  }
.Ltmp1:
0x23: {  	_ = 	snop;
	(pc) =	sbr.rel @p0 .LBB2_1-.Ltmp1, $4  }
0x24: {  	[hbm4b:s4+s2] =	stream.linear.scatter [tilespmem:s7], [sflag:$0x1], $0x2800, $0x38;
	[tilespmem:$0x2880] =	vst v63  }
0x25: {  	_ =	swait.ge [sflag:s8], $0x2800  }
0x26: {  	[sflag:s8] =	ssyncset.done $0x0  }
0x27: {  	[sflag:s8] =	ssyncadd.s32 $0xFFFFD800  }
0x28: {  	_ =	sfence.sel $0x180000  }
0x29: {  	[bflag:$0x0] =	sbarrier.arrive $0xFFFF  }
0x2a: {  	p0 =	sne.s32 s0, $0x0;
	_ =	strace $0x9000004A  }
0x2b: {  	s0 =	sadd.s32 @!p0 $0x100000, s1;
	[bflag:$0x2] =	sbarrier.arrive $0xFFFF  }
0x2c: {  	[sflag:s0] =	ssyncadd.tile.s32 @!p0 $0x1;
	_ =	shalt  }
.Lfunc_end2:
_tile_overlayer_lowered:
.L_overlay_start_2:
0x2d: {  	(tag) =	ssettag $0x2  }
0x2e: {  	s0 =	rddreg [dreg:$0x0];
	s2 =	stileid.u32  }
0x2f: {  	s1 =	rddreg [dreg:$0x1];
	p0 =	sne.s32 s2, $0x0  }
0x30: {  	s3 =	rddreg [dreg:$0x2];
	[bflag:$0x3] =	sbarrier.arrive $0xFFFF;
	s2 =	simm.s32 @!p0 $0x1C01  }
0x31: {  	[timem:s3], [sflag:s2] =	dma.local @!p0 [hbm:s0], s1  }
0x32: {  	s0 =	simm.s32 @!p0 $0x1  }
0x33: {  	_ =	swait.ge @!p0 [sflag:s0], s1  }
0x34: {  	s1 =	ssub.s32 @!p0 $0x0, s1;
	[sflag:s0] =	ssyncset.done @!p0 $0x0  }
0x35: {  	[sflag:s0] =	ssyncadd.s32 @!p0 s1  }
0x36: {  	[bflag:$0x3] =	sbarrier.arrive $0xFFFF  }
0x37: {  	_ =	shalt  }

// kernel: kernel.14.cloned.1.call-start
scs
__scs_entry_jumppad:
0x0: {  	(pc) =	sbr.rel $0x88, $3  }
0x1: {  	(tag) =	ssettag $0x0;
	lr =	simm.s32 $0x1  }
0x2: {  	[smem:$0x3F86] =	sst lr;
	_ =	strace $0xD0000000  }
0x3: {  	_ = 	snop  }
0x4: {  	_ = 	snop  }
0x5: {  	_ = 	snop  }
0x6: {  	_ = 	snop  }
0x7: {  	_ = 	snop  }
__scs_overlays_trampoline_lowered:
0x8: {  	[smem:$0x3F95] =	sst s0  }
0x9: {  	[smem:$0x3F96] =	sst s1  }
0xa: {  	[smem:$0x3F97] =	sst s2  }
0xb: {  	[smem:$0x3F98] =	sst s3  }
0xc: {  	[smem:$0x3F99] =	sst s4  }
0xd: {  	[smem:$0x3F9A] =	sst s5  }
0xe: {  	[smem:$0x3F9B] =	sst s6  }
0xf: {  	[smem:$0x3F9C] =	sst s7  }
0x10: {  	[smem:$0x3F9D] =	sst s8  }
0x11: {  	[smem:$0x3F9E] =	sst s9;
	s0 =	simm.s32 @!p0 $0x0  }
0x12: {  	s1 =	sld [smem:$0x3F84];
	s0 =	simm.s32 @p0 $0x1  }
0x13: {  	[smem:$0x3F9F] =	sst s0;
	s0 =	simm.s32 @!p1 $0x0  }
0x14: {  	s2 =	sld [smem:$0x3F83];
	s0 =	simm.s32 @p1 $0x1  }
0x15: {  	[smem:$0x3FA0] =	sst s0;
	s0 =	simm.s32 @!p2 $0x0  }
0x16: {  	s3 =	sld [smem:$0x3FDB];
	s0 =	simm.s32 @p2 $0x1  }
0x17: {  	s4 =	simm.s32 $0x1BF5;
	[smem:$0x3FA2] =	sst s0  }
0x18: {  	s0 =	sld [smem:$0x3F85];
	_ =	swait.ge [sflag:s4], $0x0  }
0x19: {  	s7 =	sld [smem:$0x3F86]  }
0x1a: {  	s8 =	sadd.s32 $0xFFFFE003, lr  }
0x1b: {  	s9 =	sadd.s32 $0xFFFFFEF7, lr;
	s5 =	simm.s32 $0xFFFFFFFF;
	p2 =	slt.u32 s8, $0xFFFFF086  }
0x1c: {  	p1 =	slt.u32 s9, $0xF7A;
	s5 =	simm.s32 @!p2 $0x0  }
0x1d: {  	s5 =	simm.s32 @p1 $0x1;
	p0 =	seq.s32 s7, s2  }
0x1e: {  	s7 =	smul.u32 @!p0 $0xF7A, s2;
	p2 =	seq.s32 @!p0 s5, $0x0  }
0x1f: {  	s9 =	smul.u32 $0xF7A, s1;
	s8 =	simm.s32 @!p0 $0x1BF5;
	p2 =	por !p2, p0  }
0x20: {  	[sflag:s8] =	ssyncset.s32 @!p0 $0xFFFFF086;
	s6 =	sadd.s32 @!p0 s3, s7;
	s7 =	simm.s32 @!p0 $0x108  }
0x21: {  	s3 =	sadd.s32 s3, s9;
	s6 =	sadd.s32 @!p0 $0x88, s6;
	s7 =	simm.s32 @p2 $0x1082  }
0x22: {  	[simem:s7], [sflag:s8] =	dma.local @!p0 [hbm:s6], $0xF7A  }
0x23: {  	s9 =	sor.u32 $0xD0000000, s2;
	s6 =	simm.s32 $0x108;
	_ =	swait.ge @!p0 [sflag:s8], $0x0  }
0x24: {  	s3 =	sadd.s32 $0x88, s3;
	s6 =	simm.s32 @!p1 $0x1082;
	[sflag:s4] =	ssyncset.s32 $0xFFFFF086  }
0x25: {  	[simem:s6], [sflag:s4] =	dma.local [hbm:s3], $0xF7A  }
0x26: {  	[smem:$0x3F86] =	sst s1;
	(tag) =	ssettag s2;
	_ =	strace s9  }
0x27: {  	s1 =	sld [smem:$0x3F96]  }
0x28: {  	s2 =	sld [smem:$0x3F97]  }
0x29: {  	s4 =	sld [smem:$0x3F99]  }
0x2a: {  	p0 =	seq.s32 s5, $0x0;
	s5 =	sld [smem:$0x3F9A]  }
0x2b: {  	s6 =	sld [smem:$0x3F9B]  }
0x2c: {  	s7 =	sld [smem:$0x3F9C]  }
0x2d: {  	s3 =	simm.s32 $0x108;
	s8 =	sld [smem:$0x3F9D]  }
0x2e: {  	s3 =	simm.s32 @!p0 $0x1082;
	s9 =	sld [smem:$0x3F9E]  }
0x2f: {  	lr =	sadd.s32 s0, s3;
	s0 =	sld [smem:$0x3F95]  }
0x30: {  	s3 =	sld [smem:$0x3F98]  }
0x31: {  	[smem:$0x3FA1] =	sst s10  }
0x32: {  	s10 =	sld [smem:$0x3F9F];
	_ =	sdelay $0x3  }
0x33: {  	p0 =	seq.s32 s10, $0x1;
	s10 =	sld [smem:$0x3FA1];
	_ =	sdelay $0x3  }
0x34: {  	[smem:$0x3FA1] =	sst s10  }
0x35: {  	s10 =	sld [smem:$0x3FA0];
	_ =	sdelay $0x3  }
0x36: {  	p1 =	seq.s32 s10, $0x1;
	s10 =	sld [smem:$0x3FA1];
	_ =	sdelay $0x3  }
0x37: {  	[smem:$0x3FA1] =	sst s10  }
0x38: {  	s10 =	sld [smem:$0x3FA2]  }
0x39: {  	_ = 	snop;
	(pc) =	sbr.ind lr, $3  }
0x3a: {  	_ = 	snop  }
0x3b: {  	_ = 	snop  }
0x3c: {  	p2 =	seq.s32 s10, $0x1;
	s10 =	sld [smem:$0x3FA1]  }
0x3d: {  	_ =	shalt  }
0x3e: {  	_ =	shalt  }
0x3f: {  	_ =	shalt  }
0x40: {  	_ =	shalt  }
0x41: {  	_ =	shalt  }
0x42: {  	_ =	shalt  }
0x43: {  	_ =	shalt  }
0x44: {  	_ =	shalt  }
0x45: {  	_ =	shalt  }
0x46: {  	_ =	shalt  }
0x47: {  	_ =	shalt  }
0x48: {  	_ =	shalt  }
0x49: {  	_ =	shalt  }
0x4a: {  	_ =	shalt  }
0x4b: {  	_ =	shalt  }
0x4c: {  	_ =	shalt  }
0x4d: {  	_ =	shalt  }
0x4e: {  	_ =	shalt  }
0x4f: {  	_ =	shalt  }
0x50: {  	_ =	shalt  }
0x51: {  	_ =	shalt  }
0x52: {  	_ =	shalt  }
0x53: {  	_ =	shalt  }
0x54: {  	_ =	shalt  }
0x55: {  	_ =	shalt  }
0x56: {  	_ =	shalt  }
0x57: {  	_ =	shalt  }
0x58: {  	_ =	shalt  }
0x59: {  	_ =	shalt  }
0x5a: {  	_ =	shalt  }
0x5b: {  	_ =	shalt  }
0x5c: {  	_ =	shalt  }
0x5d: {  	_ =	shalt  }
0x5e: {  	_ =	shalt  }
0x5f: {  	_ =	shalt  }
0x60: {  	_ =	shalt  }
0x61: {  	_ =	shalt  }
0x62: {  	_ =	shalt  }
0x63: {  	_ =	shalt  }
0x64: {  	_ =	shalt  }
0x65: {  	_ =	shalt  }
0x66: {  	_ =	shalt  }
0x67: {  	_ =	shalt  }
0x68: {  	_ =	shalt  }
0x69: {  	_ =	shalt  }
0x6a: {  	_ =	shalt  }
0x6b: {  	_ =	shalt  }
0x6c: {  	_ =	shalt  }
0x6d: {  	_ =	shalt  }
0x6e: {  	_ =	shalt  }
0x6f: {  	_ =	shalt  }
0x70: {  	_ =	shalt  }
0x71: {  	_ =	shalt  }
0x72: {  	_ =	shalt  }
0x73: {  	_ =	shalt  }
0x74: {  	_ =	shalt  }
0x75: {  	_ =	shalt  }
0x76: {  	_ =	shalt  }
0x77: {  	_ =	shalt  }
0x78: {  	_ =	shalt  }
0x79: {  	_ =	shalt  }
0x7a: {  	_ =	shalt  }
0x7b: {  	_ =	shalt  }
0x7c: {  	_ =	shalt  }
0x7d: {  	_ =	shalt  }
0x7e: {  	_ =	shalt  }
0x7f: {  	_ =	shalt  }
0x80: {  	_ =	shalt  }
0x81: {  	_ =	shalt  }
0x82: {  	_ =	shalt  }
0x83: {  	_ =	shalt  }
0x84: {  	_ =	shalt  }
0x85: {  	_ =	shalt  }
0x86: {  	_ =	shalt  }
0x87: {  	_ =	shalt  }
.Lfunc_end0:
.L_simem_size_0:
called_computation.2_lowered:
.L_overlay_start_0:
0x88: {  	s2 =	sld [smem:$0x3FD9]  }
0x89: {  	s3 =	sld [smem:$0x3FFE];
	_ =	sdelay $0x1  }
0x8a: {  	s1 =	srdreg.scid  }
0x8b: {  	s0 =	sand.u32 $0x1, s1  }
0x8c: {  	s15 =	sshll.u32 s0, $0xA;
	s2 =	sadd.s32 s3, s2  }
0x8d: {  	s2 =	sadd.s32 s2, s15  }
0x8e: {  	[smem:$0x3FAD] =	sst s2  }
0x8f: {  	_ = 	snop  }
0x90: {  	s2 =	sld [smem:$0x3FD0];
	_ =	sdelay $0x2  }
0x91: {  	s4 =	simm.s32 $0xB;
	s16 =	simm.s32 $0x10  }
0x92: {  	[smem:s16], [sflag:s4] =	dma.local [hbm:s2], $0x1  }
0x93: {  	_ =	swait.eq [sflag:s4], $0x1  }
0x94: {  	[sflag:s4] =	ssyncset.done $0x0  }
0x95: {  	s17 =	sld [smem:$0x10];
	[sflag:s4] =	ssyncadd.s32 $0xFFFFFFFF  }
0x96: {  	s18 =	sld [smem:$0x11];
	(tm) =	ssettm $0x1  }
0x97: {  	s19 =	sld [smem:$0x3FFB];
	_ =	sdelay $0x3  }
0x98: {  	_ =	strace s19  }
0x99: {  	s2 =	sld [smem:$0x3FFC];
	_ =	sdelay $0x3  }
0x9a: {  	_ =	strace s2  }
0x9b: {  	s2 =	sld [smem:$0x3FFD];
	_ =	sdelay $0x3  }
0x9c: {  	_ =	strace s2  }
0x9d: {  	_ =	strace $0x8FFFFFFF  }
0x9e: {  	s20 =	sld [smem:$0x3FDB];
	_ =	sdelay $0x1  }
0x9f: {  	s5 =	simm.s32 $_scs_section_size  }
0xa0: {  	s6 =	simm.s32 $_size__tile_overlayer_lowered;
	s7 =	simm.s32 $_tile_overlayer_lowered  }
0xa1: {  	s8 =	simm.s32 $0x1BFF;
	s21 =	sshll.u32 s7, $0x1;
	s5 =	sadd.s32 s5, s20  }
0xa2: {  	s22 =	simm.s32 $0x0;
	s6 =	sshll.u32 s6, $0x1;
	s7 =	sadd.s32 s21, s5  }
0xa3: {  	[timem:s22], [sflag:s8] =	dma.local [hbm:s7], s6  }
0xa4: {  	_ =	swait.ge [sflag:s8], s6  }
0xa5: {  	s6 =	ssub.s32 $0x0, s6;
	[sflag:s8] =	ssyncset.done $0x0  }
0xa6: {  	[sflag:s8] =	ssyncadd.s32 s6;
	_ =	sdelay $0x1  }
0xa7: {  	s23 =	simm.s32 $0x1B8B  }
0xa8: {  	_ =	swait.ge [sflag:s23], $0x1  }
0xa9: {  	[sflag:s23] =	ssyncset.done $0x0  }
0xaa: {  	[sflag:s23] =	ssyncadd.s32 $0xFFFFFFFF  }
0xab: {  	s6 =	sld [smem:$0x0]  }
0xac: {  	s7 =	sand.u32 $0xFFFFFFFE, s1  }
0xad: {  	p0 =	sne.s32 s1, s7  }
0xae: {  	s7 =	sshll.u32 @p0 s7, $0xE  }
0xaf: {  	s7 =	sadd.s32 @p0 $0x11B8D, s7;
	s8 =	sshll.u32 @p0 s6, $0x11  }
0xb0: {  	s7 =	sor.u32 @p0 s8, s7  }
0xb1: {  	[sflag:s7] =	ssyncadd.remote.s32 @p0 $0x1;
	_ =	sdelay $0x1  }
0xb2: {  	s7 =	simm.s32 @p0 $0x1B8D  }
0xb3: {  	_ =	swait.eq @p0 [sflag:s7], $0x1  }
0xb4: {  	[sflag:s7] =	ssyncadd.s32 @p0 $0xFFFFFFFF  }
0xb5: {  	s8 =	sshll.u32 @!p0 s1, $0xE  }
0xb6: {  	s8 =	sor.u32 @!p0 $0x4000, s8;
	s7 =	simm.s32 @!p0 $0x1B8D  }
0xb7: {  	s6 =	sshll.u32 @!p0 s6, $0x11;
	s8 =	sadd.s32 @!p0 $0x11B8D, s8;
	_ =	swait.eq @!p0 [sflag:s7], $0x1  }
0xb8: {  	s6 =	sor.u32 @!p0 s6, s8;
	[sflag:s7] =	ssyncadd.s32 @!p0 $0xFFFFFFFF  }
0xb9: {  	s25 =	simm.s32 $0x1B8E;
	s24 =	sld [smem:$0x3FFE];
	[sflag:s6] =	ssyncadd.remote.s32 @!p0 $0x1  }
0xba: {  	s26 =	simm.s32 $execute0_lowered;
	[smem:$0x3FD2] =	sst s25  }
0xbb: {  	s7 =	sshll.u32 s26, $0x1;
	_ =	strace $0x8000004C;
	[dreg:$0x1] =	wrdreg $0xFFFFFFFF  }
0xbc: {  	s28 =	simm.s32 $_size_execute0_lowered;
	s5 =	sadd.s32 s5, s7;
	[dreg:$0x0] =	wrdreg $0x0  }
0xbd: {  	s7 =	sshll.u32 s28, $0x1;
	[dreg:$0x2] =	wrdreg s5  }
0xbe: {  	[dreg:$0x3] =	wrdreg s7  }
0xbf: {  	[dreg:$0x4] =	wrdreg $0xC0  }
0xc0: {  	_ =	task [dreg:s22], $0x5FFFF  }
0xc1: {  	[dreg:$0x1] =	wrdreg $0xFFFFFFFF  }
0xc2: {  	[dreg:$0x0] =	wrdreg $0x60  }
0xc3: {  	[dreg:$0x2] =	wrdreg s18  }
0xc4: {  	[dreg:$0x3] =	wrdreg s24  }
0xc5: {  	[dreg:$0x4] =	wrdreg s17  }
0xc6: {  	[dreg:$0x5] =	wrdreg $0x20800  }
0xc7: {  	[dreg:$0x6] =	wrdreg $0xA  }
0xc8: {  	_ =	task.clear_ibuf [dreg:s22], $0x7FFFF;
	_ =	strace $0x9000004C  }
0xc9: {  	s29 =	simm.s32 $0xA;
	_ =	strace $0x80000054  }
0xca: {  	_ =	swait.ge [sflag:s29], $0x1  }
0xcb: {  	[sflag:s29] =	ssyncadd.s32 $0xFFFFFFFF  }
0xcc: {  	_ =	strace $0x90000054  }
0xcd: {  	_ =	sfence  }
0xce: {  	s30 =	sld [smem:$0x0];
	_ =	sdelay $0x2  }
0xcf: {  	s31 =	sshll.u32 s1, $0xD;
	s1 =	sshrl.u32 s1, $0x2  }
0xd0: {  	s4 =	sand.u32 $0x4000, s31;
	s1 =	sadd.s32 s1, s30  }
0xd1: {  	s0 =	sor.u32 s4, s0;
	s1 =	sshll.u32 s1, $0x11  }
0xd2: {  	s0 =	sor.u32 s1, s0  }
0xd3: {  	s0 =	sadd.s32 $0x8F2B, s0  }
0xd4: {  	[sflag:s0] =	ssyncadd.remote.s32 $0x1  }
0xd5: {  	_ =	sfence.sel $0xFFFF  }
0xd6: {  	[dreg:$0x0] =	wrdreg $0xFFFFFFFF;
	(pc) =	sbr.abs _section_cstart, $3  }
0xd7: {  	[dreg:$0x1] =	wrdreg $0xFFFFFFFF  }
0xd8: {  	_ =	task.clear_ibuf [dreg:s22], $0x2FFFF;
	_ =	strace $0x9FFFFFFF  }
0xd9: {  	(tm) =	ssettm $0x7FFFFFFF  }
tec
execute0_lowered:
.L_overlay_start_1:
0x0: {  	(tag) =	ssettag $0x1  }
0x1: {  	s1 =	rddreg [dreg:$0x0]  }
0x2: {  	s0 =	rddreg [dreg:$0x1]  }
0x3: {  	s4 =	rddreg [dreg:$0x2]  }
0x4: {  	s2 =	rddreg [dreg:$0x3];
	s3 =	simm.s32 $0x0;
	s5 =	srdreg.scid  }
0x5: {  	s13 =	stileid.u32;
	s28 =	simm.s32 $0x40;
	s31 =	simm.s32 $0x6  }
0x6: {  	[smem:$0x7FF] =	sst s3;
	s6 =	sand.u32 $0x1, s5;
	s16 =	smul.u32 $0x280, s13  }
0x7: {  	s5 =	sadd.s32 $0x18E00, s0;
	s9 =	sadd.s32 $0x5200, s0;
	s22 =	smul.u32 $0x50, s13  }
0x8: {  	s24 =	smul.u32 $0x2800, s13;
	_ =	strace $0x8000004D;
	s7 =	sshll.u32 s6, $0x4  }
0x9: {  	s8 =	smul.u32 $0x28000, s6;
	[dreg:$0x5] =	wrdreg s9;
	s6 =	ssub.s32 $0x2, s6  }
0xa: {  	s7 =	sor.u32 s13, s7;
	s15 =	sshrl.u32 s6, $0x1;
	s9 =	sshrl.u32 s16, $0x3  }
0xb: {  	s22 =	sadd.s32 s22, s4;
	s6 =	ssub.s32 s6, s15;
	s18 =	sadd.s32 s4, s9  }
0xc: {  	s14 =	smul.u32 $0x4E, s7;
	s6 =	smax.u32 s6, $0x1;
	[dreg:$0x8] =	wrdreg s18  }
0xd: {  	s0 =	sadd.s32 s8, s0;
	s19 =	sadd.s32 $0x8, s18;
	[dreg:$0x9] =	wrdreg s6  }
0xe: {  	s10 =	smul.u32 $0x4F, s7;
	s20 =	sadd.s32 $0x10, s18;
	[dreg:$0xa] =	wrdreg s19  }
0xf: {  	p0 =	slt.u32 s7, $0x4;
	s21 =	sadd.s32 $0x18, s18;
	[dreg:$0xb] =	wrdreg s20  }
0x10: {  	s8 =	simm.s32 $0x4F;
	s9 =	sadd.s32 $0x20, s18;
	[dreg:$0xc] =	wrdreg s21  }
0x11: {  	s4 =	simm.s32 $0x0;
	s23 =	sadd.s32 $0x28, s18;
	[dreg:$0xd] =	wrdreg s9  }
0x12: {  	s8 =	simm.s32 @!p0 $0x4E;
	s25 =	sadd.s32 $0x30, s18;
	[dreg:$0xe] =	wrdreg s23  }
0x13: {  	s26 =	sadd.s32 $0x38, s18;
	s29 =	sadd.s32 $0x40, s18;
	[dreg:$0xf] =	wrdreg s25  }
0x14: {  	s30 =	sadd.s32 $0x48, s18;
	s7 =	sadd.s32 $0x4, s14;
	[dreg:$0x10] =	wrdreg s26  }
0x15: {  	s0 =	sadd.s32 s24, s0;
	[dreg:$0x11] =	wrdreg s29;
	s7 =	smov.u32 @p0 s10  }
0x16: {  	s12 =	sadd.s32 $0xFFFFFFFF, s8;
	[dreg:$0x12] =	wrdreg s30;
	s10 =	sshll.u32 s7, $0xB  }
0x17: {  	s0 =	sadd.s32 $0x22C00, s0;
	s11 =	sshll.u32 s7, $0x4;
	s10 =	sand.u32 $0x1FFFF800, s10  }
0x18: {  	[dreg:$0x13] =	wrdreg s0;
	s11 =	sand.u32 $0x1FFFFFF0, s11;
	s10 =	sadd.s32 s1, s10  }
0x19: {  	s25 =	simm.s32 $0x80;
	s17 =	sadd.s32 s5, s11;
	[dreg:$0x6] =	wrdreg s10  }
0x1a: {  	s26 =	simm.s32 $0x2;
	s0 =	simm.s32 $0x1;
	[dreg:$0x7] =	wrdreg s17  }
.LBB2_1:
0x1b: {  	s6 =	rddreg [dreg:$0x5]  }
0x1c: {  	[tilespmem:s25], [sflag:$0x2] =	stream.linear.gather [hbm4b:s6+s3], $0x2000, $0x38;
	[tilespmem:$0x1E180] =	vst v63  }
0x1d: {  	_ =	swait.ge [sflag:s26], $0x2000  }
0x1e: {  	[sflag:s26] =	ssyncset.done $0x0  }
0x1f: {  	s11 =	rddreg [dreg:$0x8];
	[sflag:s26] =	ssyncadd.s32 $0xFFFFE000  }
0x20: {  	[tilespmem:s3], [sflag:$0x2] =	stream.linear.gather [hbm4b:s11+s3], $0x40, $0x38;
	[tilespmem:$0x1E180] =	vst v63  }
0x21: {  	_ =	swait.ge [sflag:s26], $0x40  }
0x22: {  	[sflag:s26] =	ssyncset.done $0x0  }
0x23: {  	[sflag:s26] =	ssyncadd.s32 $0xFFFFFFC0  }
0x24: {  	[spmem:s2] =	stream.indirect.scatter [tilespmem:s25], [sflag:$0x2], $0x80, s3, s28, $0xb8;
	[tilespmem:$0x1E180] =	vst v63  }
0x25: {  	_ =	swait.ge [sflag:s26], $0x2000  }
0x26: {  	[sflag:s26] =	ssyncset.done $0x0  }
0x27: {  	s13 =	rddreg [dreg:$0xa];
	[sflag:s26] =	ssyncadd.s32 $0xFFFFE000  }
0x28: {  	[tilespmem:s3], [sflag:$0x2] =	stream.linear.gather [hbm4b:s13+s3], $0x40, $0x38;
	[tilespmem:$0x1E180] =	vst v63  }
0x29: {  	_ =	swait.ge [sflag:s26], $0x40  }
0x2a: {  	[sflag:s26] =	ssyncset.done $0x0  }
0x2b: {  	[sflag:s26] =	ssyncadd.s32 $0xFFFFFFC0  }
0x2c: {  	[spmem:s2] =	stream.indirect.scatter [tilespmem:s25], [sflag:$0x2], $0x80, s3, s28, $0xb8;
	[tilespmem:$0x1E180] =	vst v63  }
0x2d: {  	_ =	swait.ge [sflag:s26], $0x2000  }
0x2e: {  	[sflag:s26] =	ssyncset.done $0x0  }
0x2f: {  	s14 =	rddreg [dreg:$0xb];
	[sflag:s26] =	ssyncadd.s32 $0xFFFFE000  }
0x30: {  	[tilespmem:s3], [sflag:$0x2] =	stream.linear.gather [hbm4b:s14+s3], $0x40, $0x38;
	[tilespmem:$0x1E180] =	vst v63  }
0x31: {  	_ =	swait.ge [sflag:s26], $0x40  }
0x32: {  	[sflag:s26] =	ssyncset.done $0x0  }
0x33: {  	[sflag:s26] =	ssyncadd.s32 $0xFFFFFFC0  }
0x34: {  	[spmem:s2] =	stream.indirect.scatter [tilespmem:s25], [sflag:$0x2], $0x80, s3, s28, $0xb8;
	[tilespmem:$0x1E180] =	vst v63  }
0x35: {  	_ =	swait.ge [sflag:s26], $0x2000  }
0x36: {  	[sflag:s26] =	ssyncset.done $0x0  }
0x37: {  	s15 =	rddreg [dreg:$0xc];
	[sflag:s26] =	ssyncadd.s32 $0xFFFFE000  }
0x38: {  	[tilespmem:s3], [sflag:$0x2] =	stream.linear.gather [hbm4b:s15+s3], $0x40, $0x38;
	[tilespmem:$0x1E180] =	vst v63  }
0x39: {  	_ =	swait.ge [sflag:s26], $0x40  }
0x3a: {  	[sflag:s26] =	ssyncset.done $0x0  }
0x3b: {  	[sflag:s26] =	ssyncadd.s32 $0xFFFFFFC0  }
0x3c: {  	[spmem:s2] =	stream.indirect.scatter [tilespmem:s25], [sflag:$0x2], $0x80, s3, s28, $0xb8;
	[tilespmem:$0x1E180] =	vst v63  }
0x3d: {  	_ =	swait.ge [sflag:s26], $0x2000  }
0x3e: {  	[sflag:s26] =	ssyncset.done $0x0  }
0x3f: {  	s16 =	rddreg [dreg:$0xd];
	[sflag:s26] =	ssyncadd.s32 $0xFFFFE000  }
0x40: {  	[tilespmem:s3], [sflag:$0x2] =	stream.linear.gather [hbm4b:s16+s3], $0x40, $0x38;
	[tilespmem:$0x1E180] =	vst v63  }
0x41: {  	_ =	swait.ge [sflag:s26], $0x40  }
0x42: {  	[sflag:s26] =	ssyncset.done $0x0  }
0x43: {  	[sflag:s26] =	ssyncadd.s32 $0xFFFFFFC0  }
0x44: {  	[spmem:s2] =	stream.indirect.scatter [tilespmem:s25], [sflag:$0x2], $0x80, s3, s28, $0xb8;
	[tilespmem:$0x1E180] =	vst v63  }
0x45: {  	_ =	swait.ge [sflag:s26], $0x2000  }
0x46: {  	[sflag:s26] =	ssyncset.done $0x0  }
0x47: {  	s17 =	rddreg [dreg:$0xe];
	[sflag:s26] =	ssyncadd.s32 $0xFFFFE000  }
0x48: {  	[tilespmem:s3], [sflag:$0x2] =	stream.linear.gather [hbm4b:s17+s3], $0x40, $0x38;
	[tilespmem:$0x1E180] =	vst v63  }
0x49: {  	_ =	swait.ge [sflag:s26], $0x40  }
0x4a: {  	[sflag:s26] =	ssyncset.done $0x0  }
0x4b: {  	[sflag:s26] =	ssyncadd.s32 $0xFFFFFFC0  }
0x4c: {  	[spmem:s2] =	stream.indirect.scatter [tilespmem:s25], [sflag:$0x2], $0x80, s3, s28, $0xb8;
	[tilespmem:$0x1E180] =	vst v63  }
0x4d: {  	_ =	swait.ge [sflag:s26], $0x2000  }
0x4e: {  	[sflag:s26] =	ssyncset.done $0x0  }
0x4f: {  	s18 =	rddreg [dreg:$0xf];
	[sflag:s26] =	ssyncadd.s32 $0xFFFFE000  }
0x50: {  	[tilespmem:s3], [sflag:$0x2] =	stream.linear.gather [hbm4b:s18+s3], $0x40, $0x38;
	[tilespmem:$0x1E180] =	vst v63  }
0x51: {  	_ =	swait.ge [sflag:s26], $0x40  }
0x52: {  	[sflag:s26] =	ssyncset.done $0x0  }
0x53: {  	[sflag:s26] =	ssyncadd.s32 $0xFFFFFFC0  }
0x54: {  	[spmem:s2] =	stream.indirect.scatter [tilespmem:s25], [sflag:$0x2], $0x80, s3, s28, $0xb8;
	[tilespmem:$0x1E180] =	vst v63  }
0x55: {  	_ =	swait.ge [sflag:s26], $0x2000  }
0x56: {  	[sflag:s26] =	ssyncset.done $0x0  }
0x57: {  	s19 =	rddreg [dreg:$0x10];
	[sflag:s26] =	ssyncadd.s32 $0xFFFFE000  }
0x58: {  	[tilespmem:s3], [sflag:$0x2] =	stream.linear.gather [hbm4b:s19+s3], $0x40, $0x38;
	[tilespmem:$0x1E180] =	vst v63  }
0x59: {  	_ =	swait.ge [sflag:s26], $0x40  }
0x5a: {  	[sflag:s26] =	ssyncset.done $0x0  }
0x5b: {  	[sflag:s26] =	ssyncadd.s32 $0xFFFFFFC0  }
0x5c: {  	[spmem:s2] =	stream.indirect.scatter [tilespmem:s25], [sflag:$0x2], $0x80, s3, s28, $0xb8;
	[tilespmem:$0x1E180] =	vst v63  }
0x5d: {  	_ =	swait.ge [sflag:s26], $0x2000  }
0x5e: {  	[sflag:s26] =	ssyncset.done $0x0  }
0x5f: {  	s20 =	rddreg [dreg:$0x11];
	[sflag:s26] =	ssyncadd.s32 $0xFFFFE000  }
0x60: {  	[tilespmem:s3], [sflag:$0x2] =	stream.linear.gather [hbm4b:s20+s3], $0x40, $0x38;
	[tilespmem:$0x1E180] =	vst v63  }
0x61: {  	_ =	swait.ge [sflag:s26], $0x40  }
0x62: {  	[sflag:s26] =	ssyncset.done $0x0  }
0x63: {  	[sflag:s26] =	ssyncadd.s32 $0xFFFFFFC0  }
0x64: {  	[spmem:s2] =	stream.indirect.scatter [tilespmem:s25], [sflag:$0x2], $0x80, s3, s28, $0xb8;
	[tilespmem:$0x1E180] =	vst v63  }
0x65: {  	_ =	swait.ge [sflag:s26], $0x2000  }
0x66: {  	[sflag:s26] =	ssyncset.done $0x0  }
0x67: {  	s21 =	rddreg [dreg:$0x12];
	[sflag:s26] =	ssyncadd.s32 $0xFFFFE000  }
0x68: {  	[tilespmem:s3], [sflag:$0x2] =	stream.linear.gather [hbm4b:s21+s3], $0x40, $0x38;
	[tilespmem:$0x1E180] =	vst v63  }
0x69: {  	_ =	swait.ge [sflag:s26], $0x40  }
0x6a: {  	[sflag:s26] =	ssyncset.done $0x0  }
0x6b: {  	[sflag:s26] =	ssyncadd.s32 $0xFFFFFFC0  }
0x6c: {  	[spmem:s2] =	stream.indirect.scatter [tilespmem:s25], [sflag:$0x2], $0x80, s3, s28, $0xb8;
	[tilespmem:$0x1E180] =	vst v63  }
0x6d: {  	_ =	swait.ge [sflag:s26], $0x2000  }
0x6e: {  	[sflag:s26] =	ssyncset.done $0x0  }
0x6f: {  	[sflag:s26] =	ssyncadd.s32 $0xFFFFE000  }
0x70: {  	s9 =	simm.s32 $0x16080;
	[bflag:$0x0] =	sbarrier.arrive $0xFFFF  }
0x71: {  	s29 =	simm.s32 $0x1E080;
	p1 =	sne.s32 s12, $0x1;
	_ =	strace $0x8000004E  }
.Ltmp0:
0x72: {  	p0 =	seq.s32 s8, $0x1;
	s23 =	rddreg [dreg:$0x6];
	(pc) =	sbr.rel @!p1 .LBB2_2-.Ltmp0, $4  }
0x73: {  	[tilespmem:s9], [sflag:$0x2] =	stream.linear.gather [hbm4b:s23+s3], $0x4000, $0x200038;
	[tilespmem:$0x1E180] =	vst v63  }
0x74: {  	s30 =	simm.s32 $0x1;
	s14 =	simm.s32 $0x1;
	s24 =	rddreg [dreg:$0x7]  }
0x75: {  	[tilespmem:s29], [sflag:$0x4] =	stream.linear.gather [hbm4b:s24+s3], $0x80, $0x200038;
	[tilespmem:$0x1E180] =	vst v63  }
0x76: {  	s14 =	simm.s32 @p0 $0x0;
	p0 =	por $0x0, $0x0;
	_ =	strace $0x9000004E  }
0x77: {  	p0 =	seq.s32 s14, $0x0;
	s30 =	simm.s32 $0x2;
	s20 =	simm.s32 $0x0  }
0x78: {  	s21 =	sand.u32 $0x1, s3;
	s23 =	simm.s32 $0x0;
	p1 =	sne.s32 s12, $0x2  }
0x79: {  	s29 =	sadd.s32 $0x1, s14;
	s6 =	sadd.s32 @!p0 s7, s14;
	s9 =	sand.u32 @!p0 $0x1, s0  }
0x7a: {  	s16 =	simm.s32 @!p0 $0x0;
	s18 =	simm.s32 @!p0 $0x1;
	_ =	strace @!p0 $0x8000004F  }
0x7b: {  	s24 =	sor.u32 $0x2, s21;
	s10 =	sshll.u32 @!p0 s6, $0xB;
	s13 =	sshll.u32 @!p0 s9, $0xE  }
0x7c: {  	s15 =	sor.u32 @!p0 $0x2, s9;
	s6 =	sshll.u32 @!p0 s6, $0x4;
	s10 =	sand.u32 @!p0 $0x1FFFF800, s10  }
0x7d: {  	s17 =	sshll.u32 @!p0 s9, $0x7;
	s13 =	sadd.s32 @!p0 $0x16080, s13;
	s10 =	sadd.s32 @!p0 s1, s10  }
0x7e: {  	[tilespmem:s13], [sflag:s15] =	stream.linear.gather @!p0 [hbm4b:s10+s16], $0x4000, $0x200038;
	[tilespmem:$0x1E180] =	vst v63  }
0x7f: {  	s9 =	sor.u32 @!p0 $0x4, s9;
	s6 =	sand.u32 @!p0 $0x1FFFFFF0, s6;
	_ =	strace @!p0 $0x9000004F  }
0x80: {  	s17 =	sadd.s32 @!p0 $0x1E080, s17;
	s10 =	sadd.s32 @!p0 s5, s6;
	_ =	strace @!p0 $0x80000050  }
0x81: {  	[tilespmem:s17], [sflag:s9] =	stream.linear.gather @!p0 [hbm4b:s10+s16], $0x80, $0x200038;
	[tilespmem:$0x1E180] =	vst v63  }
0x82: {  	s19 =	sand.u32 $0x80, s23;
	s18 =	simm.s32 @p0 $0x0;
	_ =	strace @!p0 $0x90000050  }
0x83: {  	s19 =	sadd.s32 $0x1E080, s19;
	s6 =	sadd.s32 $0x1, s18;
	_ =	strace $0x80000051  }
0x84: {  	s13 =	simm.s32 $0x0;
	s10 =	simm.s32 @!p0 $0x2;
	_ =	swait.ge [sflag:s24], $0x4000  }
0x85: {  	s17 =	sor.u32 $0x4, s21;
	s9 =	sand.u32 $0x4000, s20;
	[sflag:s24] =	ssyncset.done $0x0  }
.Ltmp1:
0x86: {  	s16 =	simm.s32 $0x1;
	[sflag:s24] =	ssyncadd.s32 $0xFFFFC000;
	(pc) =	sbr.rel @!p1 .LBB2_4-.Ltmp1, $4  }
0x87: {  	s10 =	smov.u32 @p0 s0;
	p0 =	sne.s32 s14, $0x0;
	_ =	strace $0x90000051  }
0x88: {  	s16 =	simm.s32 @!p0 $0x0;
	p0 =	seq.s32 s29, s8;
	_ =	strace $0x80000052  }
0x89: {  	s18 =	sadd.s32 $0x16080, s9;
	s29 =	simm.s32 @p0 $0x0;
	_ =	swait.ge [sflag:s17], $0x80  }
0x8a: {  	s9 =	sadd.s32 $0x0, s16;
	p0 =	por $0x1, $0x1;
	[sflag:s17] =	ssyncset.done $0x0  }
.LBB2_5:
0x8b: {  	s15 =	smov.u32 s10  }
0x8c: {  	s30 =	sadd.s32 $0x1, s30;
	p1 =	seq.s32 s14, s29;
	s13 =	sadd.s32 s16, s13  }
0x8d: {  	s10 =	sadd.s32 @!p1 s7, s29;
	s16 =	sand.u32 @!p1 $0x1, s15;
	[sflag:s17] =	ssyncadd.s32 $0xFFFFFF80  }
0x8e: {  	s17 =	sshll.u32 @!p1 s16, $0xE;
	s20 =	sshll.u32 @!p1 s10, $0xB;
	_ =	strace $0x90000052  }
0x8f: {  	s21 =	sand.u32 @!p1 $0x1, s6;
	s20 =	sand.u32 @!p1 $0x1FFFF800, s20;
	_ =	strace $0x80000053  }
0x90: {  	[spmem:s2] =	stream.indirect.scatter.add.f32 [tilespmem:s18], [sflag:$0x6], $0x80, s19, s25, $0x2000b8;
	[tilespmem:$0x1E180] =	vst v63  }
0x91: {  	s16 =	sor.u32 @!p1 $0x2, s16;
	s10 =	sshll.u32 @!p1 s10, $0x4;
	s18 =	simm.s32 @!p1 $0x0  }
0x92: {  	s17 =	sadd.s32 @!p1 $0x16080, s17;
	s10 =	sand.u32 @!p1 $0x1FFFFFF0, s10;
	s19 =	sshll.u32 @!p1 s21, $0x7  }
0x93: {  	s23 =	simm.s32 @!p1 $0x1;
	s19 =	sadd.s32 @!p1 $0x1E080, s19;
	_ =	swait.ge [sflag:s31], $0x4000  }
0x94: {  	s20 =	sadd.s32 @!p1 s1, s20;
	s21 =	sor.u32 @!p1 $0x4, s21;
	[sflag:s31] =	ssyncset.done $0x0  }
0x95: {  	s23 =	simm.s32 @p1 $0x0;
	s11 =	sadd.s32 @!p1 s5, s10;
	[sflag:s31] =	ssyncadd.s32 $0xFFFFC000  }
0x96: {  	s6 =	sadd.s32 s6, s23;
	s23 =	sshll.u32 s13, $0xE;
	_ =	strace $0x90000053  }
0x97: {  	s24 =	sshll.u32 s9, $0x7;
	s10 =	sand.u32 $0x1, s13;
	_ =	strace @!p1 $0x8000004F  }
0x98: {  	[tilespmem:s17], [sflag:s16] =	stream.linear.gather @!p1 [hbm4b:s20+s18], $0x4000, $0x200038;
	[tilespmem:$0x1E180] =	vst v63  }
0x99: {  	s16 =	sor.u32 $0x2, s10;
	s20 =	sand.u32 $0x80, s24;
	_ =	strace @!p1 $0x9000004F  }
0x9a: {  	s10 =	sadd.s32 @!p1 $0x1, s15;
	s17 =	sand.u32 $0x1, s9;
	_ =	strace @!p1 $0x80000050  }
0x9b: {  	[tilespmem:s19], [sflag:s21] =	stream.linear.gather @!p1 [hbm4b:s11+s18], $0x80, $0x200038;
	[tilespmem:$0x1E180] =	vst v63  }
0x9c: {  	s10 =	smov.u32 @p1 s15;
	s17 =	sor.u32 $0x4, s17;
	_ =	strace @!p1 $0x90000050  }
0x9d: {  	p1 =	sne.s32 s12, s30;
	_ =	strace $0x80000051  }
0x9e: {  	p2 =	sne.s32 s14, s29;
	_ =	swait.ge [sflag:s16], $0x4000  }
0x9f: {  	s14 =	smov.u32 s29;
	s11 =	sand.u32 $0x4000, s23;
	[sflag:s16] =	ssyncset.done $0x0  }
.Ltmp2:
0xa0: {  	[sflag:s16] =	ssyncadd.s32 $0xFFFFC000;
	s16 =	simm.s32 $0x1;
	(pc) =	sbr.rel @p1 .LBB2_5-.Ltmp2, $4  }
0xa1: {  	s29 =	sadd.s32 $0x1, s29;
	_ =	strace $0x90000051;
	s16 =	simm.s32 @!p2 $0x0  }
0xa2: {  	s18 =	sadd.s32 $0x16080, s11;
	p2 =	seq.s32 s29, s8;
	_ =	strace $0x80000052  }
0xa3: {  	s19 =	sadd.s32 $0x1E080, s20;
	s29 =	simm.s32 @p2 $0x0;
	_ =	swait.ge [sflag:s17], $0x80  }
0xa4: {  	s9 =	sadd.s32 s16, s9;
	[sflag:s17] =	ssyncset.done $0x0  }
0xa5: {  	s15 =	smov.u32 s14;
	s14 =	smov.u32 s29  }
.LBB2_7:
0xa6: {  	[sflag:s17] =	ssyncadd.s32 @p0 $0xFFFFFF80  }
0xa7: {  	_ =	strace @p0 $0x90000052  }
0xa8: {  	p1 =	seq.s32 s15, s14;
	_ =	strace @p0 $0x80000053  }
0xa9: {  	[spmem:s2] =	stream.indirect.scatter.add.f32 @p0 [tilespmem:s18], [sflag:$0x6], $0x80, s19, s25, $0x2000b8;
	[tilespmem:$0x1E180] =	vst v63  }
0xaa: {  	s11 =	sadd.s32 @!p1 s7, s14;
	s17 =	sand.u32 @!p1 $0x1, s10;
	_ =	swait.ge @p0 [sflag:s31], $0x4000  }
0xab: {  	s20 =	simm.s32 @!p1 $0x0;
	s18 =	sshll.u32 @!p1 s11, $0xB;
	[sflag:s31] =	ssyncset.done @p0 $0x0  }
0xac: {  	s19 =	sshll.u32 @!p1 s17, $0xE;
	s17 =	sor.u32 @!p1 $0x2, s17;
	[sflag:s31] =	ssyncadd.s32 @p0 $0xFFFFC000  }
0xad: {  	s11 =	sshll.u32 @!p1 s11, $0x4;
	s18 =	sand.u32 @!p1 $0x1FFFF800, s18;
	_ =	strace @p0 $0x90000053  }
0xae: {  	s19 =	sadd.s32 @!p1 $0x16080, s19;
	s18 =	sadd.s32 @!p1 s1, s18;
	_ =	strace @!p1 $0x8000004F  }
0xaf: {  	[tilespmem:s19], [sflag:s17] =	stream.linear.gather @!p1 [hbm4b:s18+s20], $0x4000, $0x200038;
	[tilespmem:$0x1E180] =	vst v63  }
0xb0: {  	s11 =	sand.u32 @!p1 $0x1FFFFFF0, s11;
	s17 =	sand.u32 @!p1 $0x1, s6  }
0xb1: {  	s11 =	sadd.s32 @!p1 s5, s11;
	s18 =	sshll.u32 @!p1 s17, $0x7;
	_ =	strace @!p1 $0x9000004F  }
0xb2: {  	s17 =	sor.u32 @!p1 $0x4, s17;
	s18 =	sadd.s32 @!p1 $0x1E080, s18;
	_ =	strace @!p1 $0x80000050  }
0xb3: {  	[tilespmem:s18], [sflag:s17] =	stream.linear.gather @!p1 [hbm4b:s11+s20], $0x80, $0x200038;
	[tilespmem:$0x1E180] =	vst v63  }
0xb4: {  	s11 =	sadd.s32 @p0 s16, s13;
	s13 =	simm.s32 $0x0  }
0xb5: {  	s13 =	smov.u32 @p0 s11  }
0xb6: {  	_ =	strace @!p1 $0x90000050;
	s11 =	sand.u32 $0x1, s13  }
0xb7: {  	_ =	strace $0x80000051;
	s11 =	sor.u32 $0x2, s11  }
0xb8: {  	_ =	swait.ge [sflag:s11], $0x4000  }
0xb9: {  	[sflag:s11] =	ssyncset.done $0x0  }
0xba: {  	[sflag:s11] =	ssyncadd.s32 $0xFFFFC000  }
0xbb: {  	s17 =	sand.u32 $0x1, s9;
	_ =	strace $0x90000051  }
0xbc: {  	s11 =	sor.u32 $0x4, s17;
	_ =	strace $0x80000052  }
0xbd: {  	_ =	swait.ge [sflag:s11], $0x80  }
0xbe: {  	[sflag:s11] =	ssyncset.done $0x0  }
0xbf: {  	s19 =	sshll.u32 s9, $0x7;
	s18 =	sshll.u32 s13, $0xE;
	[sflag:s11] =	ssyncadd.s32 $0xFFFFFF80  }
0xc0: {  	s20 =	sand.u32 $0x80, s19;
	s16 =	sand.u32 $0x4000, s18;
	_ =	strace $0x90000052  }
0xc1: {  	s16 =	sadd.s32 $0x16080, s16;
	s11 =	sadd.s32 $0x1E080, s20;
	_ =	strace $0x80000053  }
0xc2: {  	[spmem:s2] =	stream.indirect.scatter.add.f32 [tilespmem:s16], [sflag:$0x6], $0x80, s11, s25, $0x2000b8;
	[tilespmem:$0x1E180] =	vst v63  }
0xc3: {  	s11 =	sadd.s32 $0x1, s14  }
0xc4: {  	p0 =	seq.s32 s11, s8  }
0xc5: {  	_ =	swait.ge [sflag:s31], $0x4000;
	s11 =	simm.s32 @p0 $0x0;
	p0 =	sge.u32 s30, s12  }
0xc6: {  	[sflag:s31] =	ssyncset.done $0x0;
	p2 =	seq.s32 @!p0 s14, s11  }
0xc7: {  	s16 =	sadd.s32 @!p1 $0x1, s10;
	[sflag:s31] =	ssyncadd.s32 $0xFFFFC000;
	p0 =	por p2, p0  }
0xc8: {  	s16 =	smov.u32 @p1 s10;
	_ =	strace $0x90000053;
	s10 =	sadd.s32 @!p0 s7, s11  }
0xc9: {  	s11 =	sand.u32 @!p0 $0x1, s16;
	_ =	strace @!p0 $0x8000004F;
	s17 =	sshll.u32 @!p0 s10, $0xB  }
0xca: {  	s18 =	simm.s32 @!p0 $0x0;
	s16 =	sshll.u32 @!p0 s11, $0xE;
	s17 =	sand.u32 @!p0 $0x1FFFF800, s17  }
0xcb: {  	s11 =	sor.u32 @!p0 $0x2, s11;
	s16 =	sadd.s32 @!p0 $0x16080, s16;
	s17 =	sadd.s32 @!p0 s1, s17  }
0xcc: {  	[tilespmem:s16], [sflag:s11] =	stream.linear.gather @!p0 [hbm4b:s17+s18], $0x4000, $0x200038;
	[tilespmem:$0x1E180] =	vst v63  }
0xcd: {  	s11 =	simm.s32 @!p1 $0x1  }
0xce: {  	s11 =	simm.s32 @p1 $0x0  }
0xcf: {  	s10 =	sshll.u32 @!p0 s10, $0x4;
	s6 =	sadd.s32 s6, s11  }
0xd0: {  	s10 =	sand.u32 @!p0 $0x1FFFFFF0, s10;
	s6 =	sand.u32 @!p0 $0x1, s6  }
0xd1: {  	s10 =	sadd.s32 @!p0 s5, s10;
	_ =	strace @!p0 $0x9000004F;
	s11 =	sshll.u32 @!p0 s6, $0x7  }
0xd2: {  	_ =	strace @!p0 $0x80000050;
	s6 =	sor.u32 @!p0 $0x4, s6;
	s11 =	sadd.s32 @!p0 $0x1E080, s11  }
0xd3: {  	[tilespmem:s11], [sflag:s6] =	stream.linear.gather @!p0 [hbm4b:s10+s18], $0x80, $0x200038;
	[tilespmem:$0x1E180] =	vst v63  }
0xd4: {  	p1 =	sne.s32 s15, s14;
	s6 =	simm.s32 $0x1  }
0xd5: {  	s6 =	simm.s32 @!p1 $0x0  }
0xd6: {  	s21 =	sadd.s32 s6, s13  }
0xd7: {  	_ =	strace @!p0 $0x90000050;
	s23 =	sand.u32 $0x1, s21  }
0xd8: {  	_ =	strace $0x80000051;
	s11 =	sor.u32 $0x2, s23  }
0xd9: {  	_ =	swait.ge [sflag:s11], $0x4000  }
0xda: {  	[sflag:s11] =	ssyncset.done $0x0  }
0xdb: {  	s6 =	sadd.s32 s6, s9;
	[sflag:s11] =	ssyncadd.s32 $0xFFFFC000  }
0xdc: {  	s9 =	sand.u32 $0x1, s6;
	_ =	strace $0x90000051  }
0xdd: {  	s9 =	sor.u32 $0x4, s9;
	_ =	strace $0x80000052  }
0xde: {  	_ =	swait.ge [sflag:s9], $0x80  }
0xdf: {  	[sflag:s9] =	ssyncset.done $0x0  }
0xe0: {  	s24 =	sshll.u32 s21, $0xE;
	s6 =	sshll.u32 s6, $0x7;
	[sflag:s9] =	ssyncadd.s32 $0xFFFFFF80  }
0xe1: {  	s6 =	sand.u32 $0x80, s6;
	s9 =	sand.u32 $0x4000, s24;
	_ =	strace $0x90000052  }
0xe2: {  	s6 =	sadd.s32 $0x1E080, s6;
	s9 =	sadd.s32 $0x16080, s9;
	_ =	strace $0x80000053  }
0xe3: {  	[spmem:s2] =	stream.indirect.scatter.add.f32 [tilespmem:s9], [sflag:$0x6], $0x80, s6, s25, $0x2000b8;
	[tilespmem:$0x1E180] =	vst v63  }
0xe4: {  	_ =	swait.ge [sflag:s31], $0x4000  }
0xe5: {  	[sflag:s31] =	ssyncset.done $0x0  }
0xe6: {  	[sflag:s31] =	ssyncadd.s32 $0xFFFFC000  }
0xe7: {  	_ =	strace $0x90000053  }
0xe8: {  	s29 =	sadd.s32 $0x0, s22;
	[bflag:$0x0] =	sbarrier.arrive $0xFFFF  }
0xe9: {  	[tilespmem:s3], [sflag:$0x2] =	stream.linear.gather [hbm4b:s29+s3], $0x40, $0x38;
	[tilespmem:$0x1E180] =	vst v63  }
0xea: {  	_ =	swait.ge [sflag:s26], $0x40  }
0xeb: {  	[sflag:s26] =	ssyncset.done $0x0  }
0xec: {  	[sflag:s26] =	ssyncadd.s32 $0xFFFFFFC0  }
0xed: {  	[tilespmem:s25], [sflag:$0x1] =	stream.indirect.gather [spmem:s2], $0x80, s3, s28, $0xb8;
	[tilespmem:$0x1E180] =	vst v63  }
0xee: {  	_ =	swait.ge [sflag:s0], $0x2000  }
0xef: {  	[sflag:s0] =	ssyncset.done $0x0  }
0xf0: {  	s30 =	rddreg [dreg:$0x13];
	[sflag:s0] =	ssyncadd.s32 $0xFFFFE000  }
0xf1: {  	[hbm4b:s30+s3] =	stream.linear.scatter [tilespmem:s25], [sflag:$0x2], $0x2000, $0x38;
	[tilespmem:$0x1E180] =	vst v63  }
0xf2: {  	s10 =	simm.s32 $0x10;
	_ =	swait.ge [sflag:s26], $0x2000  }
0xf3: {  	s9 =	simm.s32 $0x8;
	s6 =	sadd.s32 $0x400, s30;
	[sflag:s26] =	ssyncset.done $0x0  }
.LBB2_8:
0xf4: {  	s11 =	sadd.s32 s9, s22  }
0xf5: {  	[sflag:s26] =	ssyncadd.s32 $0xFFFFE000;
	s9 =	smov.u32 s10;
	s13 =	sadd.s32 $0x8, s10  }
0xf6: {  	[tilespmem:s3], [sflag:$0x2] =	stream.linear.gather [hbm4b:s11+s3], $0x40, $0x38;
	[tilespmem:$0x1E180] =	vst v63  }
0xf7: {  	p0 =	sne.s32 s10, $0x48;
	_ =	swait.ge [sflag:s26], $0x40  }
0xf8: {  	[sflag:s26] =	ssyncset.done $0x0  }
0xf9: {  	[sflag:s26] =	ssyncadd.s32 $0xFFFFFFC0  }
0xfa: {  	[tilespmem:s25], [sflag:$0x1] =	stream.indirect.gather [spmem:s2], $0x80, s3, s28, $0xb8;
	[tilespmem:$0x1E180] =	vst v63  }
0xfb: {  	_ =	swait.ge [sflag:s0], $0x2000  }
.Ltmp3:
0xfc: {  	[sflag:s0] =	ssyncset.done $0x0;
	(pc) =	sbr.rel @p0 .LBB2_8-.Ltmp3, $4  }
0xfd: {  	[sflag:s0] =	ssyncadd.s32 $0xFFFFE000  }
0xfe: {  	[hbm4b:s6+s3] =	stream.linear.scatter [tilespmem:s25], [sflag:$0x2], $0x2000, $0x38;
	[tilespmem:$0x1E180] =	vst v63  }
0xff: {  	_ =	swait.ge [sflag:s26], $0x2000  }
0x100: {  	s10 =	smov.u32 s13;
	s6 =	sadd.s32 $0x400, s6;
	[sflag:s26] =	ssyncset.done $0x0  }
0x101: {  	s9 =	sadd.s32 s9, s22;
	[sflag:s26] =	ssyncadd.s32 $0xFFFFE000  }
0x102: {  	[tilespmem:s3], [sflag:$0x2] =	stream.linear.gather [hbm4b:s9+s3], $0x40, $0x38;
	[tilespmem:$0x1E180] =	vst v63  }
0x103: {  	_ =	swait.ge [sflag:s26], $0x40  }
0x104: {  	[sflag:s26] =	ssyncset.done $0x0  }
0x105: {  	[sflag:s26] =	ssyncadd.s32 $0xFFFFFFC0  }
0x106: {  	[tilespmem:s25], [sflag:$0x1] =	stream.indirect.gather [spmem:s2], $0x80, s3, s28, $0xb8;
	[tilespmem:$0x1E180] =	vst v63  }
0x107: {  	_ =	swait.ge [sflag:s0], $0x2000  }
0x108: {  	[sflag:s0] =	ssyncset.done $0x0  }
0x109: {  	[sflag:s0] =	ssyncadd.s32 $0xFFFFE000  }
0x10a: {  	[hbm4b:s6+s3] =	stream.linear.scatter [tilespmem:s25], [sflag:$0x2], $0x2000, $0x38;
	[tilespmem:$0x1E180] =	vst v63  }
0x10b: {  	_ =	swait.ge [sflag:s26], $0x2000  }
0x10c: {  	s4 =	sadd.s32 $0x1, s4;
	s30 =	rddreg [dreg:$0x9]  }
0x10d: {  	p0 =	sne.s32 s4, s30  }
.Ltmp4:
0x10e: {  	_ = 	snop;
	(pc) =	sbr.rel @p0 .LBB2_1-.Ltmp4, $4  }
.Ltmp5:
0x10f: {  	_ = 	snop;
	(pc) =	sbr.rel @!p0 .LBB2_10-.Ltmp5, $4  }
0x110: {  	_ = 	snop  }
0x111: {  	[sflag:s26] =	ssyncset.done $0x0  }
0x112: {  	[sflag:s26] =	ssyncadd.s32 $0xFFFFE000  }
0x113: {  	_ = 	snop  }
.LBB2_2:
.Ltmp6:
0x114: {  	(pc) =	sbr.rel .LBB2_7-.Ltmp6, $3  }
0x115: {  	_ =	sdelay $0x1  }
0x116: {  	s15 =	simm.s32 $0x0;
	s13 =	simm.s32 $0x0  }
0x117: {  	s10 =	simm.s32 $0x1;
	s6 =	simm.s32 $0x1;
	s9 =	simm.s32 $0x0  }
.LBB2_4:
.Ltmp7:
0x118: {  	(pc) =	sbr.rel .LBB2_7-.Ltmp7, $2  }
0x119: {  	_ =	sdelay $0x2  }
0x11a: {  	s15 =	smov.u32 s14;
	s14 =	smov.u32 s29;
	s13 =	simm.s32 $0x0  }
.LBB2_10:
0x11b: {  	_ =	sfence.sel $0x180000  }
0x11c: {  	[bflag:$0x0] =	sbarrier.arrive $0xFFFF  }
0x11d: {  	_ =	strace $0x9000004D  }
0x11e: {  	s0 =	stileid.u32;
	[bflag:$0x2] =	sbarrier.arrive $0xFFFF  }
0x11f: {  	p0 =	sne.s32 s0, $0x0;
	s0 =	rddreg [dreg:$0x4]  }
0x120: {  	s0 =	sadd.s32 @!p0 $0x100000, s0  }
0x121: {  	[sflag:s0] =	ssyncadd.tile.s32 @!p0 $0x1;
	_ =	shalt  }
.Lfunc_end2:
_tile_overlayer_lowered:
.L_overlay_start_2:
0x122: {  	(tag) =	ssettag $0x2  }
0x123: {  	s0 =	rddreg [dreg:$0x0];
	s2 =	stileid.u32  }
0x124: {  	s1 =	rddreg [dreg:$0x1];
	p0 =	sne.s32 s2, $0x0  }
0x125: {  	s3 =	rddreg [dreg:$0x2];
	[bflag:$0x3] =	sbarrier.arrive $0xFFFF;
	s2 =	simm.s32 @!p0 $0x1C02  }
0x126: {  	[timem:s3], [sflag:s2] =	dma.local @!p0 [hbm:s0], s1  }
0x127: {  	s0 =	simm.s32 @!p0 $0x2  }
0x128: {  	_ =	swait.ge @!p0 [sflag:s0], s1  }
0x129: {  	s1 =	ssub.s32 @!p0 $0x0, s1;
	[sflag:s0] =	ssyncset.done @!p0 $0x0  }
0x12a: {  	[sflag:s0] =	ssyncadd.s32 @!p0 s1  }
0x12b: {  	[bflag:$0x3] =	sbarrier.arrive $0xFFFF  }
0x12c: {  	_ =	shalt  }

// kernel: kernel.8.cloned.1.call-start
scs
__scs_entry_jumppad:
0x0: {  	(pc) =	sbr.rel $0x88, $3  }
0x1: {  	(tag) =	ssettag $0x0;
	lr =	simm.s32 $0x1  }
0x2: {  	[smem:$0x3F86] =	sst lr;
	_ =	strace $0xD0000000  }
0x3: {  	_ = 	snop  }
0x4: {  	_ = 	snop  }
0x5: {  	_ = 	snop  }
0x6: {  	_ = 	snop  }
0x7: {  	_ = 	snop  }
__scs_overlays_trampoline_lowered:
0x8: {  	[smem:$0x3F95] =	sst s0  }
0x9: {  	[smem:$0x3F96] =	sst s1  }
0xa: {  	[smem:$0x3F97] =	sst s2  }
0xb: {  	[smem:$0x3F98] =	sst s3  }
0xc: {  	[smem:$0x3F99] =	sst s4  }
0xd: {  	[smem:$0x3F9A] =	sst s5  }
0xe: {  	[smem:$0x3F9B] =	sst s6  }
0xf: {  	[smem:$0x3F9C] =	sst s7  }
0x10: {  	[smem:$0x3F9D] =	sst s8  }
0x11: {  	[smem:$0x3F9E] =	sst s9;
	s0 =	simm.s32 @!p0 $0x0  }
0x12: {  	s1 =	sld [smem:$0x3F84];
	s0 =	simm.s32 @p0 $0x1  }
0x13: {  	[smem:$0x3F9F] =	sst s0;
	s0 =	simm.s32 @!p1 $0x0  }
0x14: {  	s2 =	sld [smem:$0x3F83];
	s0 =	simm.s32 @p1 $0x1  }
0x15: {  	[smem:$0x3FA0] =	sst s0;
	s0 =	simm.s32 @!p2 $0x0  }
0x16: {  	s3 =	sld [smem:$0x3FDB];
	s0 =	simm.s32 @p2 $0x1  }
0x17: {  	s4 =	simm.s32 $0x1BF5;
	[smem:$0x3FA2] =	sst s0  }
0x18: {  	s0 =	sld [smem:$0x3F85];
	_ =	swait.ge [sflag:s4], $0x0  }
0x19: {  	s7 =	sld [smem:$0x3F86]  }
0x1a: {  	s8 =	sadd.s32 $0xFFFFE003, lr  }
0x1b: {  	s9 =	sadd.s32 $0xFFFFFEF7, lr;
	s5 =	simm.s32 $0xFFFFFFFF;
	p2 =	slt.u32 s8, $0xFFFFF086  }
0x1c: {  	p1 =	slt.u32 s9, $0xF7A;
	s5 =	simm.s32 @!p2 $0x0  }
0x1d: {  	s5 =	simm.s32 @p1 $0x1;
	p0 =	seq.s32 s7, s2  }
0x1e: {  	s7 =	smul.u32 @!p0 $0xF7A, s2;
	p2 =	seq.s32 @!p0 s5, $0x0  }
0x1f: {  	s9 =	smul.u32 $0xF7A, s1;
	s8 =	simm.s32 @!p0 $0x1BF5;
	p2 =	por !p2, p0  }
0x20: {  	[sflag:s8] =	ssyncset.s32 @!p0 $0xFFFFF086;
	s6 =	sadd.s32 @!p0 s3, s7;
	s7 =	simm.s32 @!p0 $0x108  }
0x21: {  	s3 =	sadd.s32 s3, s9;
	s6 =	sadd.s32 @!p0 $0x88, s6;
	s7 =	simm.s32 @p2 $0x1082  }
0x22: {  	[simem:s7], [sflag:s8] =	dma.local @!p0 [hbm:s6], $0xF7A  }
0x23: {  	s9 =	sor.u32 $0xD0000000, s2;
	s6 =	simm.s32 $0x108;
	_ =	swait.ge @!p0 [sflag:s8], $0x0  }
0x24: {  	s3 =	sadd.s32 $0x88, s3;
	s6 =	simm.s32 @!p1 $0x1082;
	[sflag:s4] =	ssyncset.s32 $0xFFFFF086  }
0x25: {  	[simem:s6], [sflag:s4] =	dma.local [hbm:s3], $0xF7A  }
0x26: {  	[smem:$0x3F86] =	sst s1;
	(tag) =	ssettag s2;
	_ =	strace s9  }
0x27: {  	s1 =	sld [smem:$0x3F96]  }
0x28: {  	s2 =	sld [smem:$0x3F97]  }
0x29: {  	s4 =	sld [smem:$0x3F99]  }
0x2a: {  	p0 =	seq.s32 s5, $0x0;
	s5 =	sld [smem:$0x3F9A]  }
0x2b: {  	s6 =	sld [smem:$0x3F9B]  }
0x2c: {  	s7 =	sld [smem:$0x3F9C]  }
0x2d: {  	s3 =	simm.s32 $0x108;
	s8 =	sld [smem:$0x3F9D]  }
0x2e: {  	s3 =	simm.s32 @!p0 $0x1082;
	s9 =	sld [smem:$0x3F9E]  }
0x2f: {  	lr =	sadd.s32 s0, s3;
	s0 =	sld [smem:$0x3F95]  }
0x30: {  	s3 =	sld [smem:$0x3F98]  }
0x31: {  	[smem:$0x3FA1] =	sst s10  }
0x32: {  	s10 =	sld [smem:$0x3F9F];
	_ =	sdelay $0x3  }
0x33: {  	p0 =	seq.s32 s10, $0x1;
	s10 =	sld [smem:$0x3FA1];
	_ =	sdelay $0x3  }
0x34: {  	[smem:$0x3FA1] =	sst s10  }
0x35: {  	s10 =	sld [smem:$0x3FA0];
	_ =	sdelay $0x3  }
0x36: {  	p1 =	seq.s32 s10, $0x1;
	s10 =	sld [smem:$0x3FA1];
	_ =	sdelay $0x3  }
0x37: {  	[smem:$0x3FA1] =	sst s10  }
0x38: {  	s10 =	sld [smem:$0x3FA2]  }
0x39: {  	_ = 	snop;
	(pc) =	sbr.ind lr, $3  }
0x3a: {  	_ = 	snop  }
0x3b: {  	_ = 	snop  }
0x3c: {  	p2 =	seq.s32 s10, $0x1;
	s10 =	sld [smem:$0x3FA1]  }
0x3d: {  	_ =	shalt  }
0x3e: {  	_ =	shalt  }
0x3f: {  	_ =	shalt  }
0x40: {  	_ =	shalt  }
0x41: {  	_ =	shalt  }
0x42: {  	_ =	shalt  }
0x43: {  	_ =	shalt  }
0x44: {  	_ =	shalt  }
0x45: {  	_ =	shalt  }
0x46: {  	_ =	shalt  }
0x47: {  	_ =	shalt  }
0x48: {  	_ =	shalt  }
0x49: {  	_ =	shalt  }
0x4a: {  	_ =	shalt  }
0x4b: {  	_ =	shalt  }
0x4c: {  	_ =	shalt  }
0x4d: {  	_ =	shalt  }
0x4e: {  	_ =	shalt  }
0x4f: {  	_ =	shalt  }
0x50: {  	_ =	shalt  }
0x51: {  	_ =	shalt  }
0x52: {  	_ =	shalt  }
0x53: {  	_ =	shalt  }
0x54: {  	_ =	shalt  }
0x55: {  	_ =	shalt  }
0x56: {  	_ =	shalt  }
0x57: {  	_ =	shalt  }
0x58: {  	_ =	shalt  }
0x59: {  	_ =	shalt  }
0x5a: {  	_ =	shalt  }
0x5b: {  	_ =	shalt  }
0x5c: {  	_ =	shalt  }
0x5d: {  	_ =	shalt  }
0x5e: {  	_ =	shalt  }
0x5f: {  	_ =	shalt  }
0x60: {  	_ =	shalt  }
0x61: {  	_ =	shalt  }
0x62: {  	_ =	shalt  }
0x63: {  	_ =	shalt  }
0x64: {  	_ =	shalt  }
0x65: {  	_ =	shalt  }
0x66: {  	_ =	shalt  }
0x67: {  	_ =	shalt  }
0x68: {  	_ =	shalt  }
0x69: {  	_ =	shalt  }
0x6a: {  	_ =	shalt  }
0x6b: {  	_ =	shalt  }
0x6c: {  	_ =	shalt  }
0x6d: {  	_ =	shalt  }
0x6e: {  	_ =	shalt  }
0x6f: {  	_ =	shalt  }
0x70: {  	_ =	shalt  }
0x71: {  	_ =	shalt  }
0x72: {  	_ =	shalt  }
0x73: {  	_ =	shalt  }
0x74: {  	_ =	shalt  }
0x75: {  	_ =	shalt  }
0x76: {  	_ =	shalt  }
0x77: {  	_ =	shalt  }
0x78: {  	_ =	shalt  }
0x79: {  	_ =	shalt  }
0x7a: {  	_ =	shalt  }
0x7b: {  	_ =	shalt  }
0x7c: {  	_ =	shalt  }
0x7d: {  	_ =	shalt  }
0x7e: {  	_ =	shalt  }
0x7f: {  	_ =	shalt  }
0x80: {  	_ =	shalt  }
0x81: {  	_ =	shalt  }
0x82: {  	_ =	shalt  }
0x83: {  	_ =	shalt  }
0x84: {  	_ =	shalt  }
0x85: {  	_ =	shalt  }
0x86: {  	_ =	shalt  }
0x87: {  	_ =	shalt  }
.Lfunc_end0:
.L_simem_size_0:
called_computation_lowered:
.L_overlay_start_0:
0x88: {  	s2 =	sld [smem:$0x3FD9]  }
0x89: {  	s3 =	sld [smem:$0x3FFE];
	_ =	sdelay $0x1  }
0x8a: {  	s1 =	srdreg.scid  }
0x8b: {  	s0 =	sand.u32 $0x1, s1  }
0x8c: {  	s14 =	sshll.u32 s0, $0xA;
	s2 =	sadd.s32 s3, s2  }
0x8d: {  	s2 =	sadd.s32 s2, s14  }
0x8e: {  	[smem:$0x3FAD] =	sst s2  }
0x8f: {  	_ = 	snop  }
0x90: {  	s2 =	sld [smem:$0x3FD0];
	_ =	sdelay $0x2  }
0x91: {  	s15 =	simm.s32 $0xB;
	s4 =	simm.s32 $0x10  }
0x92: {  	[smem:s4], [sflag:s15] =	dma.local [hbm:s2], $0x1  }
0x93: {  	_ =	swait.eq [sflag:s15], $0x1  }
0x94: {  	[sflag:s15] =	ssyncset.done $0x0  }
0x95: {  	s16 =	sld [smem:$0x10];
	[sflag:s15] =	ssyncadd.s32 $0xFFFFFFFF  }
0x96: {  	s17 =	sld [smem:$0x11];
	(tm) =	ssettm $0x1  }
0x97: {  	s18 =	sld [smem:$0x3FFB];
	_ =	sdelay $0x3  }
0x98: {  	_ =	strace s18  }
0x99: {  	s4 =	sld [smem:$0x3FFC];
	_ =	sdelay $0x3  }
0x9a: {  	_ =	strace s4  }
0x9b: {  	s4 =	sld [smem:$0x3FFD];
	_ =	sdelay $0x3  }
0x9c: {  	_ =	strace s4  }
0x9d: {  	_ =	strace $0x8FFFFFFF  }
0x9e: {  	s19 =	sld [smem:$0x3FDB];
	_ =	sdelay $0x1  }
0x9f: {  	s5 =	simm.s32 $_scs_section_size  }
0xa0: {  	s6 =	simm.s32 $_size__tile_overlayer_lowered;
	s7 =	simm.s32 $_tile_overlayer_lowered  }
0xa1: {  	s22 =	simm.s32 $0x1BFF;
	s21 =	sshll.u32 s7, $0x1;
	s4 =	sadd.s32 s5, s19  }
0xa2: {  	s8 =	simm.s32 $0x0;
	s20 =	sshll.u32 s6, $0x1;
	s6 =	sadd.s32 s21, s4  }
0xa3: {  	[timem:s8], [sflag:s22] =	dma.local [hbm:s6], s20  }
0xa4: {  	_ =	swait.ge [sflag:s22], s20  }
0xa5: {  	s5 =	ssub.s32 $0x0, s20;
	[sflag:s22] =	ssyncset.done $0x0  }
0xa6: {  	[sflag:s22] =	ssyncadd.s32 s5;
	_ =	sdelay $0x1  }
0xa7: {  	s23 =	simm.s32 $0x1B8B  }
0xa8: {  	_ =	swait.ge [sflag:s23], $0x1  }
0xa9: {  	[sflag:s23] =	ssyncset.done $0x0  }
0xaa: {  	s25 =	simm.s32 $0x1B8E;
	s24 =	sld [smem:$0x3FFE];
	[sflag:s23] =	ssyncadd.s32 $0xFFFFFFFF  }
0xab: {  	s26 =	simm.s32 $execute0_lowered;
	[smem:$0x3FD2] =	sst s25  }
0xac: {  	s6 =	sshll.u32 s26, $0x1;
	_ =	strace $0x80000046;
	[dreg:$0x1] =	wrdreg $0xFFFFFFFF  }
0xad: {  	s28 =	simm.s32 $_size_execute0_lowered;
	s4 =	sadd.s32 s4, s6;
	[dreg:$0x0] =	wrdreg $0x0  }
0xae: {  	s6 =	sshll.u32 s28, $0x1;
	[dreg:$0x2] =	wrdreg s4  }
0xaf: {  	[dreg:$0x3] =	wrdreg s6  }
0xb0: {  	[dreg:$0x4] =	wrdreg $0xC0  }
0xb1: {  	_ =	task [dreg:s8], $0x5FFFF  }
0xb2: {  	[dreg:$0x1] =	wrdreg $0xFFFFFFFF  }
0xb3: {  	[dreg:$0x0] =	wrdreg $0x60  }
0xb4: {  	[dreg:$0x2] =	wrdreg s16  }
0xb5: {  	[dreg:$0x3] =	wrdreg s17  }
0xb6: {  	[dreg:$0x4] =	wrdreg s24  }
0xb7: {  	[dreg:$0x5] =	wrdreg $0xA  }
0xb8: {  	_ =	task.clear_ibuf [dreg:s8], $0x6FFFF;
	_ =	strace $0x90000046  }
0xb9: {  	s29 =	simm.s32 $0xA;
	_ =	strace $0x80000048  }
0xba: {  	_ =	swait.ge [sflag:s29], $0x1  }
0xbb: {  	[sflag:s29] =	ssyncadd.s32 $0xFFFFFFFF  }
0xbc: {  	_ =	strace $0x90000048  }
0xbd: {  	_ =	sfence  }
0xbe: {  	s30 =	sld [smem:$0x0];
	_ =	sdelay $0x2  }
0xbf: {  	s31 =	sshll.u32 s1, $0xD;
	s1 =	sshrl.u32 s1, $0x2  }
0xc0: {  	s3 =	sand.u32 $0x4000, s31;
	s1 =	sadd.s32 s1, s30  }
0xc1: {  	s0 =	sor.u32 s3, s0;
	s1 =	sshll.u32 s1, $0x11  }
0xc2: {  	s0 =	sor.u32 s1, s0  }
0xc3: {  	s0 =	sadd.s32 $0x8F2B, s0  }
0xc4: {  	[sflag:s0] =	ssyncadd.remote.s32 $0x1  }
0xc5: {  	_ =	sfence.sel $0xFFFF  }
0xc6: {  	[dreg:$0x0] =	wrdreg $0xFFFFFFFF;
	(pc) =	sbr.abs _section_cstart, $3  }
0xc7: {  	[dreg:$0x1] =	wrdreg $0xFFFFFFFF  }
0xc8: {  	_ =	task.clear_ibuf [dreg:s8], $0x2FFFF;
	_ =	strace $0x9FFFFFFF  }
0xc9: {  	(tm) =	ssettm $0x7FFFFFFF  }
tec
execute0_lowered:
.L_overlay_start_1:
0x0: {  	(tag) =	ssettag $0x1  }
0x1: {  	s1 =	rddreg [dreg:$0x0]  }
0x2: {  	s3 =	rddreg [dreg:$0x1]  }
0x3: {  	s5 =	rddreg [dreg:$0x2]  }
0x4: {  	s0 =	rddreg [dreg:$0x3];
	s6 =	srdreg.scid  }
0x5: {  	s2 =	stileid.u32;
	s4 =	simm.s32 $0x0;
	s11 =	simm.s32 $0x50  }
0x6: {  	s12 =	simm.s32 $0x100;
	s13 =	simm.s32 $0x1;
	s7 =	smul.u32 $0x4E20, s2  }
0x7: {  	s14 =	simm.s32 $0x0;
	s6 =	sand.u32 $0x1, s6;
	s9 =	smul.u32 $0x4E200, s2  }
0x8: {  	[smem:$0x7FF] =	sst s4;
	s8 =	smul.u32 $0x2710, s6;
	s10 =	ssub.s32 $0x2, s6  }
0x9: {  	_ =	strace $0x80000047;
	s6 =	smul.u32 $0x27100, s6;
	s30 =	sshrl.u32 s10, $0x1  }
0xa: {  	s9 =	sadd.s32 s9, s5;
	s7 =	sadd.s32 s8, s7;
	s8 =	ssub.s32 s10, s30  }
0xb: {  	s6 =	sadd.s32 s6, s9;
	s9 =	simm.s32 $0x2;
	s7 =	sshrl.u32 s7, $0x3  }
0xc: {  	s10 =	simm.s32 $0x80;
	s6 =	sadd.s32 $0x23E00, s6;
	s31 =	sadd.s32 s7, s5  }
0xd: {  	s5 =	smax.u32 s8, $0x1;
	s7 =	sadd.s32 $0xF000, s31;
	s8 =	sadd.s32 $0x5200, s31  }
.LBB2_1:
0xe: {  	s15 =	sadd.s32 $0x0, s8  }
0xf: {  	[tilespmem:s4], [sflag:$0x2] =	stream.linear.gather [hbm4b:s15+s4], $0x50, $0x38;
	[tilespmem:$0x2900] =	vst v63  }
0x10: {  	_ =	swait.ge [sflag:s9], $0x50  }
0x11: {  	[sflag:s9] =	ssyncset.done $0x0  }
0x12: {  	s31 =	sadd.s32 $0x0, s7;
	[sflag:s9] =	ssyncadd.s32 $0xFFFFFFB0  }
0x13: {  	[tilespmem:s10], [sflag:$0x2] =	stream.linear.gather [hbm4b:s31+s4], $0x50, $0x38;
	[tilespmem:$0x2900] =	vst v63  }
0x14: {  	_ =	swait.ge [sflag:s9], $0x50  }
0x15: {  	[sflag:s9] =	ssyncset.done $0x0  }
0x16: {  	[sflag:s9] =	ssyncadd.s32 $0xFFFFFFB0  }
0x17: {  	[tilespmem:s12], [sflag:$0x1] =	stream.indirect.gather [hbm4b:s1+s11], $0x80, s4, s11, $0xb8;
	[tilespmem:$0x2900] =	vst v63  }
0x18: {  	_ =	swait.ge [sflag:s13], $0x2800  }
0x19: {  	[sflag:s13] =	ssyncset.done $0x0  }
0x1a: {  	[sflag:s13] =	ssyncadd.s32 $0xFFFFD800  }
0x1b: {  	[tilespmem:s12], [sflag:$0x1] =	stream.indirect.gather.add.f32 [hbm:s3], $0x80, s10, s11, $0xb8;
	[tilespmem:$0x2900] =	vst v63  }
0x1c: {  	_ =	swait.ge [sflag:s13], $0x2800  }
0x1d: {  	[sflag:s13] =	ssyncset.done $0x0  }
0x1e: {  	[sflag:s13] =	ssyncadd.s32 $0xFFFFD800  }
0x1f: {  	[hbm4b:s6+s4] =	stream.linear.scatter [tilespmem:s12], [sflag:$0x2], $0x2800, $0x38;
	[tilespmem:$0x2900] =	vst v63  }
0x20: {  	s16 =	simm.s32 $0xA;
	_ =	swait.ge [sflag:s9], $0x2800  }
0x21: {  	s17 =	simm.s32 $0x14;
	s15 =	sadd.s32 $0x500, s6;
	[sflag:s9] =	ssyncset.done $0x0  }
.LBB2_2:
0x22: {  	s18 =	sadd.s32 s16, s8  }
0x23: {  	[sflag:s9] =	ssyncadd.s32 $0xFFFFD800;
	s19 =	smov.u32 s17;
	s20 =	sadd.s32 $0xA, s17  }
0x24: {  	[tilespmem:s4], [sflag:$0x2] =	stream.linear.gather [hbm4b:s18+s4], $0x50, $0x38;
	[tilespmem:$0x2900] =	vst v63  }
0x25: {  	p0 =	sne.s32 s17, $0x4D8;
	_ =	swait.ge [sflag:s9], $0x50  }
0x26: {  	[sflag:s9] =	ssyncset.done $0x0  }
0x27: {  	s17 =	sadd.s32 s16, s7;
	s16 =	smov.u32 s19;
	[sflag:s9] =	ssyncadd.s32 $0xFFFFFFB0  }
0x28: {  	[tilespmem:s10], [sflag:$0x2] =	stream.linear.gather [hbm4b:s17+s4], $0x50, $0x38;
	[tilespmem:$0x2900] =	vst v63  }
0x29: {  	_ =	swait.ge [sflag:s9], $0x50  }
0x2a: {  	[sflag:s9] =	ssyncset.done $0x0  }
0x2b: {  	[sflag:s9] =	ssyncadd.s32 $0xFFFFFFB0  }
0x2c: {  	[tilespmem:s12], [sflag:$0x1] =	stream.indirect.gather [hbm4b:s1+s11], $0x80, s4, s11, $0xb8;
	[tilespmem:$0x2900] =	vst v63  }
0x2d: {  	_ =	swait.ge [sflag:s13], $0x2800  }
0x2e: {  	[sflag:s13] =	ssyncset.done $0x0  }
0x2f: {  	[sflag:s13] =	ssyncadd.s32 $0xFFFFD800  }
0x30: {  	[tilespmem:s12], [sflag:$0x1] =	stream.indirect.gather.add.f32 [hbm:s3], $0x80, s10, s11, $0xb8;
	[tilespmem:$0x2900] =	vst v63  }
0x31: {  	_ =	swait.ge [sflag:s13], $0x2800  }
.Ltmp0:
0x32: {  	[sflag:s13] =	ssyncset.done $0x0;
	(pc) =	sbr.rel @p0 .LBB2_2-.Ltmp0, $4  }
0x33: {  	[sflag:s13] =	ssyncadd.s32 $0xFFFFD800  }
0x34: {  	[hbm4b:s15+s4] =	stream.linear.scatter [tilespmem:s12], [sflag:$0x2], $0x2800, $0x38;
	[tilespmem:$0x2900] =	vst v63  }
0x35: {  	_ =	swait.ge [sflag:s9], $0x2800  }
0x36: {  	s17 =	smov.u32 s20;
	s15 =	sadd.s32 $0x500, s15;
	[sflag:s9] =	ssyncset.done $0x0  }
0x37: {  	s17 =	sadd.s32 s16, s8;
	[sflag:s9] =	ssyncadd.s32 $0xFFFFD800  }
0x38: {  	[tilespmem:s4], [sflag:$0x2] =	stream.linear.gather [hbm4b:s17+s4], $0x50, $0x38;
	[tilespmem:$0x2900] =	vst v63  }
0x39: {  	_ =	swait.ge [sflag:s9], $0x50  }
0x3a: {  	[sflag:s9] =	ssyncset.done $0x0  }
0x3b: {  	s31 =	sadd.s32 s16, s7;
	[sflag:s9] =	ssyncadd.s32 $0xFFFFFFB0  }
0x3c: {  	[tilespmem:s10], [sflag:$0x2] =	stream.linear.gather [hbm4b:s31+s4], $0x50, $0x38;
	[tilespmem:$0x2900] =	vst v63  }
0x3d: {  	_ =	swait.ge [sflag:s9], $0x50  }
0x3e: {  	[sflag:s9] =	ssyncset.done $0x0  }
0x3f: {  	[sflag:s9] =	ssyncadd.s32 $0xFFFFFFB0  }
0x40: {  	[tilespmem:s12], [sflag:$0x1] =	stream.indirect.gather [hbm4b:s1+s11], $0x80, s4, s11, $0xb8;
	[tilespmem:$0x2900] =	vst v63  }
0x41: {  	_ =	swait.ge [sflag:s13], $0x2800  }
0x42: {  	[sflag:s13] =	ssyncset.done $0x0  }
0x43: {  	[sflag:s13] =	ssyncadd.s32 $0xFFFFD800  }
0x44: {  	[tilespmem:s12], [sflag:$0x1] =	stream.indirect.gather.add.f32 [hbm:s3], $0x80, s10, s11, $0xb8;
	[tilespmem:$0x2900] =	vst v63  }
0x45: {  	s14 =	sadd.s32 $0x1, s14;
	_ =	swait.ge [sflag:s13], $0x2800  }
0x46: {  	p0 =	sne.s32 s14, s5;
	[sflag:s13] =	ssyncset.done $0x0  }
.Ltmp1:
0x47: {  	[sflag:s13] =	ssyncadd.s32 $0xFFFFD800;
	(pc) =	sbr.rel @p0 .LBB2_1-.Ltmp1, $4  }
0x48: {  	[hbm4b:s15+s4] =	stream.linear.scatter [tilespmem:s12], [sflag:$0x2], $0x2800, $0x38;
	[tilespmem:$0x2900] =	vst v63  }
0x49: {  	_ =	swait.ge [sflag:s9], $0x2800  }
0x4a: {  	[sflag:s9] =	ssyncset.done $0x0  }
0x4b: {  	[sflag:s9] =	ssyncadd.s32 $0xFFFFD800  }
0x4c: {  	_ =	sfence.sel $0x180000  }
0x4d: {  	[bflag:$0x0] =	sbarrier.arrive $0xFFFF  }
0x4e: {  	p0 =	sne.s32 s2, $0x0;
	_ =	strace $0x90000047  }
0x4f: {  	s0 =	sadd.s32 @!p0 $0x100000, s0;
	[bflag:$0x2] =	sbarrier.arrive $0xFFFF  }
0x50: {  	[sflag:s0] =	ssyncadd.tile.s32 @!p0 $0x1;
	_ =	shalt  }
.Lfunc_end2:
_tile_overlayer_lowered:
.L_overlay_start_2:
0x51: {  	(tag) =	ssettag $0x2  }
0x52: {  	s0 =	rddreg [dreg:$0x0];
	s2 =	stileid.u32  }
0x53: {  	s1 =	rddreg [dreg:$0x1];
	p0 =	sne.s32 s2, $0x0  }
0x54: {  	s3 =	rddreg [dreg:$0x2];
	[bflag:$0x3] =	sbarrier.arrive $0xFFFF;
	s2 =	simm.s32 @!p0 $0x1C02  }
0x55: {  	[timem:s3], [sflag:s2] =	dma.local @!p0 [hbm:s0], s1  }
0x56: {  	s0 =	simm.s32 @!p0 $0x2  }
0x57: {  	_ =	swait.ge @!p0 [sflag:s0], s1  }
0x58: {  	s1 =	ssub.s32 @!p0 $0x0, s1;
	[sflag:s0] =	ssyncset.done @!p0 $0x0  }
0x59: {  	[sflag:s0] =	ssyncadd.s32 @!p0 s1  }
0x5a: {  	[bflag:$0x3] =	sbarrier.arrive $0xFFFF  }
0x5b: {  	_ =	shalt  }

</sc_bundles>
